<compile_context>
chip_gen: v7x
topology: tpu7x:2x2x1
jax: 0.10.2.dev20260603
libtpu: 0.0.44.dev20260713+nightly
codegen_flags: <defaults>
</compile_context>

<pallas_src>
import functools

import jax
import jax.numpy as jnp
from jax import lax
from jax.experimental import pallas as pl
from jax.experimental.pallas import tpu as pltpu
from jax.experimental.pallas import tpu_sc as plsc


@functools.cache
def _make_gather(Bt: int, S: int, D: int):
    info = plsc.get_sparse_core_info()
    NC, NS = info.num_cores, info.num_subcores
    NW = NC * NS
    assert Bt % NW == 0
    RW = Bt // NW

    NB = 8
    K = 6
    assert RW % NB == 0 and K < NB
    mesh = plsc.VectorSubcoreMesh(core_axis_name="c", subcore_axis_name="s")

    @functools.partial(
        pl.kernel,
        mesh=mesh,
        out_type=jax.ShapeDtypeStruct((Bt, S, D), jnp.float32),
        compiler_params=pltpu.CompilerParams(use_tc_tiling_on_sc=False),
        scratch_types=[
            pltpu.VMEM((RW, S), jnp.int32),
            pltpu.VMEM((NB, S, 2 * D), jnp.float32),
            pltpu.SemaphoreType.DMA((NB,)),
            pltpu.SemaphoreType.DMA((NB,)),
        ],
    )
    def gather_kernel(idx_hbm, table_hbm, out_hbm, idx_v, rows_v, g_sems, w_sems):
        wid = lax.axis_index("s") * NC + lax.axis_index("c")
        base = wid * RW
        pltpu.sync_copy(idx_hbm.at[pl.ds(base, RW)], idx_v)

        def start_gather(j, slot):
            pltpu.async_copy(
                table_hbm.at[idx_v.at[j]], rows_v.at[slot], g_sems.at[slot]
            )

        def wait_gather(slot):
            pltpu.make_async_copy(
                table_hbm.at[idx_v.at[0]], rows_v.at[slot], g_sems.at[slot]
            ).wait()

        def wait_write(slot):
            pltpu.make_async_copy(
                rows_v.at[slot, :, pl.ds(0, D)], out_hbm.at[base], w_sems.at[slot]
            ).wait()

        for c in range(K):
            start_gather(c, c)

        def outer(o, carry):
            for b in range(NB):
                j = o * NB + b
                s = (b + K) % NB
                @pl.when(j + K < RW)
                def _():
                    @pl.when(j + K >= NB)
                    def _():
                        wait_write(s)
                    start_gather(j + K, s)
                wait_gather(b)
                pltpu.async_copy(
                    rows_v.at[b, :, pl.ds(0, D)], out_hbm.at[base + j], w_sems.at[b]
                )
            return carry

        lax.fori_loop(0, RW // NB, outer, 0)
        for b in range(NB):
            wait_write(b)

    return gather_kernel


def kernel(input_, weight):
    Bt, S = input_.shape
    D = weight.shape[1]
    wp = jnp.pad(weight, ((0, 0), (0, D)))
    return _make_gather(Bt, S, D)(input_, wp)

# --- scband reference (transcript-rebuilt; emitter-appended) ---
"""Pipeline reference for scband-vocab-parallel-embedding-70781061038487 (READ-ONLY COPY).

The authoritative reference and input builder live on the scoring server;
editing this copy changes nothing except your own understanding.
"""

import jax, jax.numpy as jnp
import numpy as np

NUM_EMBEDDINGS = 1000000
EMBEDDING_DIM = 64
BATCH = 4096
SEQ = 50


def setup_inputs(seed: int = 0) -> dict:
    key = jax.random.key(seed)
    k_idx, k_w = jax.random.split(key)
    input_ = jax.random.randint(k_idx, (BATCH, SEQ), 0, NUM_EMBEDDINGS, dtype=jnp.int32)
    # xavier_normal-like init for the embedding table (master weight on single partition)
    std = float(np.sqrt(2.0 / (NUM_EMBEDDINGS + EMBEDDING_DIM)))
    weight = jax.random.normal(k_w, (NUM_EMBEDDINGS, EMBEDDING_DIM), dtype=jnp.float32) * std
    return {"input_": input_, "weight": weight}


def reference(input_, weight):
    # tensor_model_parallel_size == 1, so no input masking is applied.
    # F.embedding with default options is a plain row gather.
    output = jnp.take(weight, input_, axis=0)
    # reduce_from_tensor_model_parallel_region is identity at world_size=1;
    # no LayerNorm since use_bnb_optimizer=False and embed_layernorm=False.
    return output

if __name__ == "__main__":
    import jax
    _d = setup_inputs()
    print(jax.jit(kernel)(*tuple(_d.values())))

</pallas_src>

<mosaic_0001>
#map = affine_map<(d0, d1) -> (0, 0)>
#map1 = affine_map<(d0, d1) -> (0, 0, 0)>
module attributes {stable_mosaic.version = 14 : i64} {
  func.func @gather_kernel(%arg0: i32, %arg1: i32, %arg2: memref<4096x50xi32, #tpu.memory_space<hbm>>, %arg3: memref<1000000x128xf32, #tpu.memory_space<hbm>>, %arg4: memref<4096x50x64xf32, #tpu.memory_space<hbm>>, %arg5: memref<128x50xi32, #tpu.memory_space<vmem>>, %arg6: memref<8x50x128xf32, #tpu.memory_space<vmem>>, %arg7: memref<8x!tpu.dma_semaphore, #tpu.memory_space<semaphore_mem>>, %arg8: memref<8x!tpu.dma_semaphore, #tpu.memory_space<semaphore_mem>>) attributes {dimension_semantics = [#tpu.dimension_semantics<core_parallel>, #tpu.dimension_semantics<subcore_parallel>], iteration_bounds = array<i64: 2, 16>, scalar_prefetch = 0 : i64, scratch_operands = 4 : i64, tpu.core_type = #tpu.core_type<sc_vector_subcore>, window_params = [{transform_indices = #map}, {transform_indices = #map}, {transform_indices = #map1}]} {
    %mul3A = arith.constant 2 : i32
    %mul3A_0 = arith.muli %arg1, %mul3A : i32
    %add3A = arith.addi %mul3A_0, %arg0 : i32
    %mul3A_1 = arith.constant 128 : i32
    %mul3A_2 = arith.muli %add3A, %mul3A_1 : i32
    "tpu.region"() ({
      %run_scoped3A = tpu.sem_alloc : memref<!tpu.dma_semaphore, #tpu.memory_space<semaphore_mem>>
      %dma_start3A_256 = arith.constant 0 : i32
      %dma_start3A_257 = tpu.memref_slice %arg2[%mul3A_2, %dma_start3A_256] : memref<4096x50xi32, #tpu.memory_space<hbm>> -> memref<128x50xi32, #tpu.memory_space<hbm>>
      %dma_start3A_258 = arith.constant 0 : i32
      %dma_start3A_259 = tpu.memref_slice %arg2[%mul3A_2, %dma_start3A_258] : memref<4096x50xi32, #tpu.memory_space<hbm>> -> memref<128x50xi32, #tpu.memory_space<hbm>>
      tpu.enqueue_dma source(%dma_start3A_259 : memref<128x50xi32, #tpu.memory_space<hbm>>) target(%arg5 : memref<128x50xi32, #tpu.memory_space<vmem>>) target_semaphore(%run_scoped3A : memref<!tpu.dma_semaphore, #tpu.memory_space<semaphore_mem>>)
      %dma_wait3A_260 = arith.constant 0 : i32
      %dma_wait3A_261 = tpu.memref_slice %arg2[%mul3A_2, %dma_wait3A_260] : memref<4096x50xi32, #tpu.memory_space<hbm>> -> memref<128x50xi32, #tpu.memory_space<hbm>>
      %dma_wait3A_262 = arith.constant 0 : i32
      %dma_wait3A_263 = tpu.memref_slice %arg2[%mul3A_2, %dma_wait3A_262] : memref<4096x50xi32, #tpu.memory_space<hbm>> -> memref<128x50xi32, #tpu.memory_space<hbm>>
      tpu.wait_dma2 semaphore(%run_scoped3A : memref<!tpu.dma_semaphore, #tpu.memory_space<semaphore_mem>>) src(%dma_wait3A_263 : memref<128x50xi32, #tpu.memory_space<hbm>>) dst(%arg5 : memref<128x50xi32, #tpu.memory_space<vmem>>)
      tpu.yield
    }) : () -> ()
    %dma_start3A = arith.constant 0 : i32
    %dma_start3A_3 = arith.constant 0 : i32
    %dma_start3A_4 = arith.constant 0 : i32
    %dma_start3A_5 = arith.constant 0 : i32
    %dma_start3A_6 = arith.constant 0 : i32
    %dma_start3A_7 = tpu.memref_slice %arg6[%dma_start3A_3, %dma_start3A_5, %dma_start3A_6] : memref<8x50x128xf32, #tpu.memory_space<vmem>> -> memref<1x50x128xf32, #tpu.memory_space<vmem>>
    %dma_start3A_8 = tpu.memref_squeeze %dma_start3A_7 : memref<1x50x128xf32, #tpu.memory_space<vmem>> -> memref<50x128xf32, #tpu.memory_space<vmem>>
    %dma_start3A_9 = arith.constant 0 : i32
    %dma_start3A_10 = tpu.memref_slice %arg5[%dma_start3A, %dma_start3A_9] : memref<128x50xi32, #tpu.memory_space<vmem>> -> memref<1x50xi32, #tpu.memory_space<vmem>>
    %dma_start3A_11 = tpu.memref_squeeze %dma_start3A_10 : memref<1x50xi32, #tpu.memory_space<vmem>> -> memref<50xi32, #tpu.memory_space<vmem>>
    %dma_start3A_12 = arith.constant 0 : i32
    %dma_start3A_13 = arith.constant 0 : i32
    %dma_start3A_14 = tpu.memref_slice %arg3[%dma_start3A_12, %dma_start3A_13] : memref<1000000x128xf32, #tpu.memory_space<hbm>> -> memref<1000000x128xf32, #tpu.memory_space<hbm>>
    %dma_start3A_15 = tpu.memref_slice %arg7[%dma_start3A_4] : memref<8x!tpu.dma_semaphore, #tpu.memory_space<semaphore_mem>> -> memref<1x!tpu.dma_semaphore, #tpu.memory_space<semaphore_mem>>
    %dma_start3A_16 = tpu.memref_squeeze %dma_start3A_15 : memref<1x!tpu.dma_semaphore, #tpu.memory_space<semaphore_mem>> -> memref<!tpu.dma_semaphore, #tpu.memory_space<semaphore_mem>>
    tpu.enqueue_indirect_dma source(%dma_start3A_14 : memref<1000000x128xf32, #tpu.memory_space<hbm>>) target(%dma_start3A_8 : memref<50x128xf32, #tpu.memory_space<vmem>>) offsets(%dma_start3A_11 : memref<50xi32, #tpu.memory_space<vmem>>) semaphore(%dma_start3A_16 : memref<!tpu.dma_semaphore, #tpu.memory_space<semaphore_mem>>)
    %dma_start3A_17 = arith.constant 1 : i32
    %dma_start3A_18 = arith.constant 1 : i32
    %dma_start3A_19 = arith.constant 1 : i32
    %dma_start3A_20 = arith.constant 0 : i32
    %dma_start3A_21 = arith.constant 0 : i32
    %dma_start3A_22 = tpu.memref_slice %arg6[%dma_start3A_18, %dma_start3A_20, %dma_start3A_21] : memref<8x50x128xf32, #tpu.memory_space<vmem>> -> memref<1x50x128xf32, #tpu.memory_space<vmem>>
    %dma_start3A_23 = tpu.memref_squeeze %dma_start3A_22 : memref<1x50x128xf32, #tpu.memory_space<vmem>> -> memref<50x128xf32, #tpu.memory_space<vmem>>
    %dma_start3A_24 = arith.constant 0 : i32
    %dma_start3A_25 = tpu.memref_slice %arg5[%dma_start3A_17, %dma_start3A_24] : memref<128x50xi32, #tpu.memory_space<vmem>> -> memref<1x50xi32, #tpu.memory_space<vmem>>
    %dma_start3A_26 = tpu.memref_squeeze %dma_start3A_25 : memref<1x50xi32, #tpu.memory_space<vmem>> -> memref<50xi32, #tpu.memory_space<vmem>>
    %dma_start3A_27 = arith.constant 0 : i32
    %dma_start3A_28 = arith.constant 0 : i32
    %dma_start3A_29 = tpu.memref_slice %arg3[%dma_start3A_27, %dma_start3A_28] : memref<1000000x128xf32, #tpu.memory_space<hbm>> -> memref<1000000x128xf32, #tpu.memory_space<hbm>>
    %dma_start3A_30 = tpu.memref_slice %arg7[%dma_start3A_19] : memref<8x!tpu.dma_semaphore, #tpu.memory_space<semaphore_mem>> -> memref<1x!tpu.dma_semaphore, #tpu.memory_space<semaphore_mem>>
    %dma_start3A_31 = tpu.memref_squeeze %dma_start3A_30 : memref<1x!tpu.dma_semaphore, #tpu.memory_space<semaphore_mem>> -> memref<!tpu.dma_semaphore, #tpu.memory_space<semaphore_mem>>
    tpu.enqueue_indirect_dma source(%dma_start3A_29 : memref<1000000x128xf32, #tpu.memory_space<hbm>>) target(%dma_start3A_23 : memref<50x128xf32, #tpu.memory_space<vmem>>) offsets(%dma_start3A_26 : memref<50xi32, #tpu.memory_space<vmem>>) semaphore(%dma_start3A_31 : memref<!tpu.dma_semaphore, #tpu.memory_space<semaphore_mem>>)
    %dma_start3A_32 = arith.constant 2 : i32
    %dma_start3A_33 = arith.constant 2 : i32
    %dma_start3A_34 = arith.constant 2 : i32
    %dma_start3A_35 = arith.constant 0 : i32
    %dma_start3A_36 = arith.constant 0 : i32
    %dma_start3A_37 = tpu.memref_slice %arg6[%dma_start3A_33, %dma_start3A_35, %dma_start3A_36] : memref<8x50x128xf32, #tpu.memory_space<vmem>> -> memref<1x50x128xf32, #tpu.memory_space<vmem>>
    %dma_start3A_38 = tpu.memref_squeeze %dma_start3A_37 : memref<1x50x128xf32, #tpu.memory_space<vmem>> -> memref<50x128xf32, #tpu.memory_space<vmem>>
    %dma_start3A_39 = arith.constant 0 : i32
    %dma_start3A_40 = tpu.memref_slice %arg5[%dma_start3A_32, %dma_start3A_39] : memref<128x50xi32, #tpu.memory_space<vmem>> -> memref<1x50xi32, #tpu.memory_space<vmem>>
    %dma_start3A_41 = tpu.memref_squeeze %dma_start3A_40 : memref<1x50xi32, #tpu.memory_space<vmem>> -> memref<50xi32, #tpu.memory_space<vmem>>
    %dma_start3A_42 = arith.constant 0 : i32
    %dma_start3A_43 = arith.constant 0 : i32
    %dma_start3A_44 = tpu.memref_slice %arg3[%dma_start3A_42, %dma_start3A_43] : memref<1000000x128xf32, #tpu.memory_space<hbm>> -> memref<1000000x128xf32, #tpu.memory_space<hbm>>
    %dma_start3A_45 = tpu.memref_slice %arg7[%dma_start3A_34] : memref<8x!tpu.dma_semaphore, #tpu.memory_space<semaphore_mem>> -> memref<1x!tpu.dma_semaphore, #tpu.memory_space<semaphore_mem>>
    %dma_start3A_46 = tpu.memref_squeeze %dma_start3A_45 : memref<1x!tpu.dma_semaphore, #tpu.memory_space<semaphore_mem>> -> memref<!tpu.dma_semaphore, #tpu.memory_space<semaphore_mem>>
    tpu.enqueue_indirect_dma source(%dma_start3A_44 : memref<1000000x128xf32, #tpu.memory_space<hbm>>) target(%dma_start3A_38 : memref<50x128xf32, #tpu.memory_space<vmem>>) offsets(%dma_start3A_41 : memref<50xi32, #tpu.memory_space<vmem>>) semaphore(%dma_start3A_46 : memref<!tpu.dma_semaphore, #tpu.memory_space<semaphore_mem>>)
    %dma_start3A_47 = arith.constant 3 : i32
    %dma_start3A_48 = arith.constant 3 : i32
    %dma_start3A_49 = arith.constant 3 : i32
    %dma_start3A_50 = arith.constant 0 : i32
    %dma_start3A_51 = arith.constant 0 : i32
    %dma_start3A_52 = tpu.memref_slice %arg6[%dma_start3A_48, %dma_start3A_50, %dma_start3A_51] : memref<8x50x128xf32, #tpu.memory_space<vmem>> -> memref<1x50x128xf32, #tpu.memory_space<vmem>>
    %dma_start3A_53 = tpu.memref_squeeze %dma_start3A_52 : memref<1x50x128xf32, #tpu.memory_space<vmem>> -> memref<50x128xf32, #tpu.memory_space<vmem>>
    %dma_start3A_54 = arith.constant 0 : i32
    %dma_start3A_55 = tpu.memref_slice %arg5[%dma_start3A_47, %dma_start3A_54] : memref<128x50xi32, #tpu.memory_space<vmem>> -> memref<1x50xi32, #tpu.memory_space<vmem>>
    %dma_start3A_56 = tpu.memref_squeeze %dma_start3A_55 : memref<1x50xi32, #tpu.memory_space<vmem>> -> memref<50xi32, #tpu.memory_space<vmem>>
    %dma_start3A_57 = arith.constant 0 : i32
    %dma_start3A_58 = arith.constant 0 : i32
    %dma_start3A_59 = tpu.memref_slice %arg3[%dma_start3A_57, %dma_start3A_58] : memref<1000000x128xf32, #tpu.memory_space<hbm>> -> memref<1000000x128xf32, #tpu.memory_space<hbm>>
    %dma_start3A_60 = tpu.memref_slice %arg7[%dma_start3A_49] : memref<8x!tpu.dma_semaphore, #tpu.memory_space<semaphore_mem>> -> memref<1x!tpu.dma_semaphore, #tpu.memory_space<semaphore_mem>>
    %dma_start3A_61 = tpu.memref_squeeze %dma_start3A_60 : memref<1x!tpu.dma_semaphore, #tpu.memory_space<semaphore_mem>> -> memref<!tpu.dma_semaphore, #tpu.memory_space<semaphore_mem>>
    tpu.enqueue_indirect_dma source(%dma_start3A_59 : memref<1000000x128xf32, #tpu.memory_space<hbm>>) target(%dma_start3A_53 : memref<50x128xf32, #tpu.memory_space<vmem>>) offsets(%dma_start3A_56 : memref<50xi32, #tpu.memory_space<vmem>>) semaphore(%dma_start3A_61 : memref<!tpu.dma_semaphore, #tpu.memory_space<semaphore_mem>>)
    %dma_start3A_62 = arith.constant 4 : i32
    %dma_start3A_63 = arith.constant 4 : i32
    %dma_start3A_64 = arith.constant 4 : i32
    %dma_start3A_65 = arith.constant 0 : i32
    %dma_start3A_66 = arith.constant 0 : i32
    %dma_start3A_67 = tpu.memref_slice %arg6[%dma_start3A_63, %dma_start3A_65, %dma_start3A_66] : memref<8x50x128xf32, #tpu.memory_space<vmem>> -> memref<1x50x128xf32, #tpu.memory_space<vmem>>
    %dma_start3A_68 = tpu.memref_squeeze %dma_start3A_67 : memref<1x50x128xf32, #tpu.memory_space<vmem>> -> memref<50x128xf32, #tpu.memory_space<vmem>>
    %dma_start3A_69 = arith.constant 0 : i32
    %dma_start3A_70 = tpu.memref_slice %arg5[%dma_start3A_62, %dma_start3A_69] : memref<128x50xi32, #tpu.memory_space<vmem>> -> memref<1x50xi32, #tpu.memory_space<vmem>>
    %dma_start3A_71 = tpu.memref_squeeze %dma_start3A_70 : memref<1x50xi32, #tpu.memory_space<vmem>> -> memref<50xi32, #tpu.memory_space<vmem>>
    %dma_start3A_72 = arith.constant 0 : i32
    %dma_start3A_73 = arith.constant 0 : i32
    %dma_start3A_74 = tpu.memref_slice %arg3[%dma_start3A_72, %dma_start3A_73] : memref<1000000x128xf32, #tpu.memory_space<hbm>> -> memref<1000000x128xf32, #tpu.memory_space<hbm>>
    %dma_start3A_75 = tpu.memref_slice %arg7[%dma_start3A_64] : memref<8x!tpu.dma_semaphore, #tpu.memory_space<semaphore_mem>> -> memref<1x!tpu.dma_semaphore, #tpu.memory_space<semaphore_mem>>
    %dma_start3A_76 = tpu.memref_squeeze %dma_start3A_75 : memref<1x!tpu.dma_semaphore, #tpu.memory_space<semaphore_mem>> -> memref<!tpu.dma_semaphore, #tpu.memory_space<semaphore_mem>>
    tpu.enqueue_indirect_dma source(%dma_start3A_74 : memref<1000000x128xf32, #tpu.memory_space<hbm>>) target(%dma_start3A_68 : memref<50x128xf32, #tpu.memory_space<vmem>>) offsets(%dma_start3A_71 : memref<50xi32, #tpu.memory_space<vmem>>) semaphore(%dma_start3A_76 : memref<!tpu.dma_semaphore, #tpu.memory_space<semaphore_mem>>)
    %dma_start3A_77 = arith.constant 5 : i32
    %dma_start3A_78 = arith.constant 5 : i32
    %dma_start3A_79 = arith.constant 5 : i32
    %dma_start3A_80 = arith.constant 0 : i32
    %dma_start3A_81 = arith.constant 0 : i32
    %dma_start3A_82 = tpu.memref_slice %arg6[%dma_start3A_78, %dma_start3A_80, %dma_start3A_81] : memref<8x50x128xf32, #tpu.memory_space<vmem>> -> memref<1x50x128xf32, #tpu.memory_space<vmem>>
    %dma_start3A_83 = tpu.memref_squeeze %dma_start3A_82 : memref<1x50x128xf32, #tpu.memory_space<vmem>> -> memref<50x128xf32, #tpu.memory_space<vmem>>
    %dma_start3A_84 = arith.constant 0 : i32
    %dma_start3A_85 = tpu.memref_slice %arg5[%dma_start3A_77, %dma_start3A_84] : memref<128x50xi32, #tpu.memory_space<vmem>> -> memref<1x50xi32, #tpu.memory_space<vmem>>
    %dma_start3A_86 = tpu.memref_squeeze %dma_start3A_85 : memref<1x50xi32, #tpu.memory_space<vmem>> -> memref<50xi32, #tpu.memory_space<vmem>>
    %dma_start3A_87 = arith.constant 0 : i32
    %dma_start3A_88 = arith.constant 0 : i32
    %dma_start3A_89 = tpu.memref_slice %arg3[%dma_start3A_87, %dma_start3A_88] : memref<1000000x128xf32, #tpu.memory_space<hbm>> -> memref<1000000x128xf32, #tpu.memory_space<hbm>>
    %dma_start3A_90 = tpu.memref_slice %arg7[%dma_start3A_79] : memref<8x!tpu.dma_semaphore, #tpu.memory_space<semaphore_mem>> -> memref<1x!tpu.dma_semaphore, #tpu.memory_space<semaphore_mem>>
    %dma_start3A_91 = tpu.memref_squeeze %dma_start3A_90 : memref<1x!tpu.dma_semaphore, #tpu.memory_space<semaphore_mem>> -> memref<!tpu.dma_semaphore, #tpu.memory_space<semaphore_mem>>
    tpu.enqueue_indirect_dma source(%dma_start3A_89 : memref<1000000x128xf32, #tpu.memory_space<hbm>>) target(%dma_start3A_83 : memref<50x128xf32, #tpu.memory_space<vmem>>) offsets(%dma_start3A_86 : memref<50xi32, #tpu.memory_space<vmem>>) semaphore(%dma_start3A_91 : memref<!tpu.dma_semaphore, #tpu.memory_space<semaphore_mem>>)
    %scan3A = arith.constant 0 : i32
    %scan3A_92 = arith.constant 0 : i32
    %scan3A_93 = arith.constant 16 : i32
    %scan3A_94 = arith.addi %scan3A_92, %scan3A_93 : i32
    %scan3A_95 = arith.constant 1 : i32
    scf.for %scan3A_256 = %scan3A_92 to %scan3A_94 step %scan3A_95  : i32 {
      %mul3A_257 = arith.constant 8 : i32
      %mul3A_258 = arith.muli %scan3A_256, %mul3A_257 : i32
      %add3A_259 = arith.constant 0 : i32
      %add3A_260 = arith.addi %mul3A_258, %add3A_259 : i32
      %add3A_261 = arith.constant 6 : i32
      %add3A_262 = arith.addi %add3A_260, %add3A_261 : i32
      %lt3A = arith.constant 128 : i32
      %lt3A_263 = arith.cmpi slt, %add3A_262, %lt3A : i32
      %convert_element_type3A = arith.extui %lt3A_263 : i1 to i32
      %cond3A = arith.constant 0 : i32
      %cond3A_264 = arith.cmpi ne, %convert_element_type3A, %cond3A : i32
      scf.if %cond3A_264 {
        %add3A_630 = arith.constant 6 : i32
        %add3A_631 = arith.addi %add3A_260, %add3A_630 : i32
        %ge3A = arith.constant 8 : i32
        %ge3A_632 = arith.cmpi sge, %add3A_631, %ge3A : i32
        %convert_element_type3A_633 = arith.extui %ge3A_632 : i1 to i32
        %cond3A_634 = arith.constant 0 : i32
        %cond3A_635 = arith.cmpi ne, %convert_element_type3A_633, %cond3A_634 : i32
        scf.if %cond3A_635 {
          %dma_wait3A_652 = arith.constant 6 : i32
          %dma_wait3A_653 = arith.constant 6 : i32
          %dma_wait3A_654 = arith.constant 0 : i32
          %dma_wait3A_655 = arith.constant 0 : i32
          %dma_wait3A_656 = tpu.memref_slice %arg6[%dma_wait3A_652, %dma_wait3A_654, %dma_wait3A_655] : memref<8x50x128xf32, #tpu.memory_space<vmem>> -> memref<1x50x64xf32, #tpu.memory_space<vmem>>
          %dma_wait3A_657 = tpu.memref_squeeze %dma_wait3A_656 : memref<1x50x64xf32, #tpu.memory_space<vmem>> -> memref<50x64xf32, #tpu.memory_space<vmem>>
          %dma_wait3A_658 = arith.constant 0 : i32
          %dma_wait3A_659 = arith.constant 0 : i32
          %dma_wait3A_660 = tpu.memref_slice %arg4[%mul3A_2, %dma_wait3A_658, %dma_wait3A_659] : memref<4096x50x64xf32, #tpu.memory_space<hbm>> -> memref<1x50x64xf32, #tpu.memory_space<hbm>>
          %dma_wait3A_661 = tpu.memref_squeeze %dma_wait3A_660 : memref<1x50x64xf32, #tpu.memory_space<hbm>> -> memref<50x64xf32, #tpu.memory_space<hbm>>
          %dma_wait3A_662 = tpu.memref_slice %arg8[%dma_wait3A_653] : memref<8x!tpu.dma_semaphore, #tpu.memory_space<semaphore_mem>> -> memref<1x!tpu.dma_semaphore, #tpu.memory_space<semaphore_mem>>
          %dma_wait3A_663 = tpu.memref_squeeze %dma_wait3A_662 : memref<1x!tpu.dma_semaphore, #tpu.memory_space<semaphore_mem>> -> memref<!tpu.dma_semaphore, #tpu.memory_space<semaphore_mem>>
          %dma_wait3A_664 = arith.constant 0 : i32
          %dma_wait3A_665 = arith.constant 0 : i32
          %dma_wait3A_666 = tpu.memref_slice %arg4[%mul3A_2, %dma_wait3A_664, %dma_wait3A_665] : memref<4096x50x64xf32, #tpu.memory_space<hbm>> -> memref<1x50x64xf32, #tpu.memory_space<hbm>>
          %dma_wait3A_667 = tpu.memref_squeeze %dma_wait3A_666 : memref<1x50x64xf32, #tpu.memory_space<hbm>> -> memref<50x64xf32, #tpu.memory_space<hbm>>
          %dma_wait3A_668 = arith.constant 0 : i32
          %dma_wait3A_669 = arith.constant 0 : i32
          %dma_wait3A_670 = tpu.memref_slice %arg6[%dma_wait3A_652, %dma_wait3A_668, %dma_wait3A_669] : memref<8x50x128xf32, #tpu.memory_space<vmem>> -> memref<1x50x64xf32, #tpu.memory_space<vmem>>
          %dma_wait3A_671 = tpu.memref_squeeze %dma_wait3A_670 : memref<1x50x64xf32, #tpu.memory_space<vmem>> -> memref<50x64xf32, #tpu.memory_space<vmem>>
          tpu.wait_dma2 semaphore(%dma_wait3A_663 : memref<!tpu.dma_semaphore, #tpu.memory_space<semaphore_mem>>) src(%dma_wait3A_671 : memref<50x64xf32, #tpu.memory_space<vmem>>) dst(%dma_wait3A_667 : memref<50x64xf32, #tpu.memory_space<hbm>>)
        } else {
        }
        %add3A_636 = arith.constant 6 : i32
        %add3A_637 = arith.addi %add3A_260, %add3A_636 : i32
        %dma_start3A_638 = arith.constant 6 : i32
        %dma_start3A_639 = arith.constant 6 : i32
        %dma_start3A_640 = arith.constant 0 : i32
        %dma_start3A_641 = arith.constant 0 : i32
        %dma_start3A_642 = tpu.memref_slice %arg6[%dma_start3A_638, %dma_start3A_640, %dma_start3A_641] : memref<8x50x128xf32, #tpu.memory_space<vmem>> -> memref<1x50x128xf32, #tpu.memory_space<vmem>>
        %dma_start3A_643 = tpu.memref_squeeze %dma_start3A_642 : memref<1x50x128xf32, #tpu.memory_space<vmem>> -> memref<50x128xf32, #tpu.memory_space<vmem>>
        %dma_start3A_644 = arith.constant 0 : i32
        %dma_start3A_645 = tpu.memref_slice %arg5[%add3A_637, %dma_start3A_644] : memref<128x50xi32, #tpu.memory_space<vmem>> -> memref<1x50xi32, #tpu.memory_space<vmem>>
        %dma_start3A_646 = tpu.memref_squeeze %dma_start3A_645 : memref<1x50xi32, #tpu.memory_space<vmem>> -> memref<50xi32, #tpu.memory_space<vmem>>
        %dma_start3A_647 = arith.constant 0 : i32
        %dma_start3A_648 = arith.constant 0 : i32
        %dma_start3A_649 = tpu.memref_slice %arg3[%dma_start3A_647, %dma_start3A_648] : memref<1000000x128xf32, #tpu.memory_space<hbm>> -> memref<1000000x128xf32, #tpu.memory_space<hbm>>
        %dma_start3A_650 = tpu.memref_slice %arg7[%dma_start3A_639] : memref<8x!tpu.dma_semaphore, #tpu.memory_space<semaphore_mem>> -> memref<1x!tpu.dma_semaphore, #tpu.memory_space<semaphore_mem>>
        %dma_start3A_651 = tpu.memref_squeeze %dma_start3A_650 : memref<1x!tpu.dma_semaphore, #tpu.memory_space<semaphore_mem>> -> memref<!tpu.dma_semaphore, #tpu.memory_space<semaphore_mem>>
        tpu.enqueue_indirect_dma source(%dma_start3A_649 : memref<1000000x128xf32, #tpu.memory_space<hbm>>) target(%dma_start3A_643 : memref<50x128xf32, #tpu.memory_space<vmem>>) offsets(%dma_start3A_646 : memref<50xi32, #tpu.memory_space<vmem>>) semaphore(%dma_start3A_651 : memref<!tpu.dma_semaphore, #tpu.memory_space<semaphore_mem>>)
      } else {
      }
      %dma_wait3A_265 = arith.constant 0 : i32
      %dma_wait3A_266 = arith.constant 0 : i32
      %dma_wait3A_267 = arith.constant 0 : i32
      %dma_wait3A_268 = arith.constant 0 : i32
      %dma_wait3A_269 = arith.constant 0 : i32
      %dma_wait3A_270 = tpu.memref_slice %arg6[%dma_wait3A_266, %dma_wait3A_268, %dma_wait3A_269] : memref<8x50x128xf32, #tpu.memory_space<vmem>> -> memref<1x50x128xf32, #tpu.memory_space<vmem>>
      %dma_wait3A_271 = tpu.memref_squeeze %dma_wait3A_270 : memref<1x50x128xf32, #tpu.memory_space<vmem>> -> memref<50x128xf32, #tpu.memory_space<vmem>>
      %dma_wait3A_272 = arith.constant 0 : i32
      %dma_wait3A_273 = tpu.memref_slice %arg5[%dma_wait3A_265, %dma_wait3A_272] : memref<128x50xi32, #tpu.memory_space<vmem>> -> memref<1x50xi32, #tpu.memory_space<vmem>>
      %dma_wait3A_274 = tpu.memref_squeeze %dma_wait3A_273 : memref<1x50xi32, #tpu.memory_space<vmem>> -> memref<50xi32, #tpu.memory_space<vmem>>
      %dma_wait3A_275 = arith.constant 0 : i32
      %dma_wait3A_276 = arith.constant 0 : i32
      %dma_wait3A_277 = tpu.memref_slice %arg3[%dma_wait3A_275, %dma_wait3A_276] : memref<1000000x128xf32, #tpu.memory_space<hbm>> -> memref<1000000x128xf32, #tpu.memory_space<hbm>>
      %dma_wait3A_278 = tpu.memref_slice %arg7[%dma_wait3A_267] : memref<8x!tpu.dma_semaphore, #tpu.memory_space<semaphore_mem>> -> memref<1x!tpu.dma_semaphore, #tpu.memory_space<semaphore_mem>>
      %dma_wait3A_279 = tpu.memref_squeeze %dma_wait3A_278 : memref<1x!tpu.dma_semaphore, #tpu.memory_space<semaphore_mem>> -> memref<!tpu.dma_semaphore, #tpu.memory_space<semaphore_mem>>
      tpu.wait_indirect_dma semaphore(%dma_wait3A_279 : memref<!tpu.dma_semaphore, #tpu.memory_space<semaphore_mem>>) src(%dma_wait3A_277 : memref<1000000x128xf32, #tpu.memory_space<hbm>>) dst(%dma_wait3A_271 : memref<50x128xf32, #tpu.memory_space<vmem>>)
      %add3A_280 = arith.addi %mul3A_2, %add3A_260 : i32
      %dma_start3A_281 = arith.constant 0 : i32
      %dma_start3A_282 = arith.constant 0 : i32
      %dma_start3A_283 = arith.constant 0 : i32
      %dma_start3A_284 = arith.constant 0 : i32
      %dma_start3A_285 = tpu.memref_slice %arg6[%dma_start3A_281, %dma_start3A_283, %dma_start3A_284] : memref<8x50x128xf32, #tpu.memory_space<vmem>> -> memref<1x50x64xf32, #tpu.memory_space<vmem>>
      %dma_start3A_286 = tpu.memref_squeeze %dma_start3A_285 : memref<1x50x64xf32, #tpu.memory_space<vmem>> -> memref<50x64xf32, #tpu.memory_space<vmem>>
      %dma_start3A_287 = arith.constant 0 : i32
      %dma_start3A_288 = arith.constant 0 : i32
      %dma_start3A_289 = tpu.memref_slice %arg4[%add3A_280, %dma_start3A_287, %dma_start3A_288] : memref<4096x50x64xf32, #tpu.memory_space<hbm>> -> memref<1x50x64xf32, #tpu.memory_space<hbm>>
      %dma_start3A_290 = tpu.memref_squeeze %dma_start3A_289 : memref<1x50x64xf32, #tpu.memory_space<hbm>> -> memref<50x64xf32, #tpu.memory_space<hbm>>
      %dma_start3A_291 = tpu.memref_slice %arg8[%dma_start3A_282] : memref<8x!tpu.dma_semaphore, #tpu.memory_space<semaphore_mem>> -> memref<1x!tpu.dma_semaphore, #tpu.memory_space<semaphore_mem>>
      %dma_start3A_292 = tpu.memref_squeeze %dma_start3A_291 : memref<1x!tpu.dma_semaphore, #tpu.memory_space<semaphore_mem>> -> memref<!tpu.dma_semaphore, #tpu.memory_space<semaphore_mem>>
      %dma_start3A_293 = arith.constant 0 : i32
      %dma_start3A_294 = arith.constant 0 : i32
      %dma_start3A_295 = tpu.memref_slice %arg4[%add3A_280, %dma_start3A_293, %dma_start3A_294] : memref<4096x50x64xf32, #tpu.memory_space<hbm>> -> memref<1x50x64xf32, #tpu.memory_space<hbm>>
      %dma_start3A_296 = tpu.memref_squeeze %dma_start3A_295 : memref<1x50x64xf32, #tpu.memory_space<hbm>> -> memref<50x64xf32, #tpu.memory_space<hbm>>
      %dma_start3A_297 = arith.constant 0 : i32
      %dma_start3A_298 = arith.constant 0 : i32
      %dma_start3A_299 = tpu.memref_slice %arg6[%dma_start3A_281, %dma_start3A_297, %dma_start3A_298] : memref<8x50x128xf32, #tpu.memory_space<vmem>> -> memref<1x50x64xf32, #tpu.memory_space<vmem>>
      %dma_start3A_300 = tpu.memref_squeeze %dma_start3A_299 : memref<1x50x64xf32, #tpu.memory_space<vmem>> -> memref<50x64xf32, #tpu.memory_space<vmem>>
      tpu.enqueue_dma source(%dma_start3A_300 : memref<50x64xf32, #tpu.memory_space<vmem>>) target(%dma_start3A_296 : memref<50x64xf32, #tpu.memory_space<hbm>>) target_semaphore(%dma_start3A_292 : memref<!tpu.dma_semaphore, #tpu.memory_space<semaphore_mem>>)
      %mul3A_301 = arith.constant 8 : i32
      %mul3A_302 = arith.muli %scan3A_256, %mul3A_301 : i32
      %add3A_303 = arith.constant 1 : i32
      %add3A_304 = arith.addi %mul3A_302, %add3A_303 : i32
      %add3A_305 = arith.constant 6 : i32
      %add3A_306 = arith.addi %add3A_304, %add3A_305 : i32
      %lt3A_307 = arith.constant 128 : i32
      %lt3A_308 = arith.cmpi slt, %add3A_306, %lt3A_307 : i32
      %convert_element_type3A_309 = arith.extui %lt3A_308 : i1 to i32
      %cond3A_310 = arith.constant 0 : i32
      %cond3A_311 = arith.cmpi ne, %convert_element_type3A_309, %cond3A_310 : i32
      scf.if %cond3A_311 {
        %add3A_630 = arith.constant 6 : i32
        %add3A_631 = arith.addi %add3A_304, %add3A_630 : i32
        %ge3A = arith.constant 8 : i32
        %ge3A_632 = arith.cmpi sge, %add3A_631, %ge3A : i32
        %convert_element_type3A_633 = arith.extui %ge3A_632 : i1 to i32
        %cond3A_634 = arith.constant 0 : i32
        %cond3A_635 = arith.cmpi ne, %convert_element_type3A_633, %cond3A_634 : i32
        scf.if %cond3A_635 {
          %dma_wait3A_652 = arith.constant 7 : i32
          %dma_wait3A_653 = arith.constant 7 : i32
          %dma_wait3A_654 = arith.constant 0 : i32
          %dma_wait3A_655 = arith.constant 0 : i32
          %dma_wait3A_656 = tpu.memref_slice %arg6[%dma_wait3A_652, %dma_wait3A_654, %dma_wait3A_655] : memref<8x50x128xf32, #tpu.memory_space<vmem>> -> memref<1x50x64xf32, #tpu.memory_space<vmem>>
          %dma_wait3A_657 = tpu.memref_squeeze %dma_wait3A_656 : memref<1x50x64xf32, #tpu.memory_space<vmem>> -> memref<50x64xf32, #tpu.memory_space<vmem>>
          %dma_wait3A_658 = arith.constant 0 : i32
          %dma_wait3A_659 = arith.constant 0 : i32
          %dma_wait3A_660 = tpu.memref_slice %arg4[%mul3A_2, %dma_wait3A_658, %dma_wait3A_659] : memref<4096x50x64xf32, #tpu.memory_space<hbm>> -> memref<1x50x64xf32, #tpu.memory_space<hbm>>
          %dma_wait3A_661 = tpu.memref_squeeze %dma_wait3A_660 : memref<1x50x64xf32, #tpu.memory_space<hbm>> -> memref<50x64xf32, #tpu.memory_space<hbm>>
          %dma_wait3A_662 = tpu.memref_slice %arg8[%dma_wait3A_653] : memref<8x!tpu.dma_semaphore, #tpu.memory_space<semaphore_mem>> -> memref<1x!tpu.dma_semaphore, #tpu.memory_space<semaphore_mem>>
          %dma_wait3A_663 = tpu.memref_squeeze %dma_wait3A_662 : memref<1x!tpu.dma_semaphore, #tpu.memory_space<semaphore_mem>> -> memref<!tpu.dma_semaphore, #tpu.memory_space<semaphore_mem>>
          %dma_wait3A_664 = arith.constant 0 : i32
          %dma_wait3A_665 = arith.constant 0 : i32
          %dma_wait3A_666 = tpu.memref_slice %arg4[%mul3A_2, %dma_wait3A_664, %dma_wait3A_665] : memref<4096x50x64xf32, #tpu.memory_space<hbm>> -> memref<1x50x64xf32, #tpu.memory_space<hbm>>
          %dma_wait3A_667 = tpu.memref_squeeze %dma_wait3A_666 : memref<1x50x64xf32, #tpu.memory_space<hbm>> -> memref<50x64xf32, #tpu.memory_space<hbm>>
          %dma_wait3A_668 = arith.constant 0 : i32
          %dma_wait3A_669 = arith.constant 0 : i32
          %dma_wait3A_670 = tpu.memref_slice %arg6[%dma_wait3A_652, %dma_wait3A_668, %dma_wait3A_669] : memref<8x50x128xf32, #tpu.memory_space<vmem>> -> memref<1x50x64xf32, #tpu.memory_space<vmem>>
          %dma_wait3A_671 = tpu.memref_squeeze %dma_wait3A_670 : memref<1x50x64xf32, #tpu.memory_space<vmem>> -> memref<50x64xf32, #tpu.memory_space<vmem>>
          tpu.wait_dma2 semaphore(%dma_wait3A_663 : memref<!tpu.dma_semaphore, #tpu.memory_space<semaphore_mem>>) src(%dma_wait3A_671 : memref<50x64xf32, #tpu.memory_space<vmem>>) dst(%dma_wait3A_667 : memref<50x64xf32, #tpu.memory_space<hbm>>)
        } else {
        }
        %add3A_636 = arith.constant 6 : i32
        %add3A_637 = arith.addi %add3A_304, %add3A_636 : i32
        %dma_start3A_638 = arith.constant 7 : i32
        %dma_start3A_639 = arith.constant 7 : i32
        %dma_start3A_640 = arith.constant 0 : i32
        %dma_start3A_641 = arith.constant 0 : i32
        %dma_start3A_642 = tpu.memref_slice %arg6[%dma_start3A_638, %dma_start3A_640, %dma_start3A_641] : memref<8x50x128xf32, #tpu.memory_space<vmem>> -> memref<1x50x128xf32, #tpu.memory_space<vmem>>
        %dma_start3A_643 = tpu.memref_squeeze %dma_start3A_642 : memref<1x50x128xf32, #tpu.memory_space<vmem>> -> memref<50x128xf32, #tpu.memory_space<vmem>>
        %dma_start3A_644 = arith.constant 0 : i32
        %dma_start3A_645 = tpu.memref_slice %arg5[%add3A_637, %dma_start3A_644] : memref<128x50xi32, #tpu.memory_space<vmem>> -> memref<1x50xi32, #tpu.memory_space<vmem>>
        %dma_start3A_646 = tpu.memref_squeeze %dma_start3A_645 : memref<1x50xi32, #tpu.memory_space<vmem>> -> memref<50xi32, #tpu.memory_space<vmem>>
        %dma_start3A_647 = arith.constant 0 : i32
        %dma_start3A_648 = arith.constant 0 : i32
        %dma_start3A_649 = tpu.memref_slice %arg3[%dma_start3A_647, %dma_start3A_648] : memref<1000000x128xf32, #tpu.memory_space<hbm>> -> memref<1000000x128xf32, #tpu.memory_space<hbm>>
        %dma_start3A_650 = tpu.memref_slice %arg7[%dma_start3A_639] : memref<8x!tpu.dma_semaphore, #tpu.memory_space<semaphore_mem>> -> memref<1x!tpu.dma_semaphore, #tpu.memory_space<semaphore_mem>>
        %dma_start3A_651 = tpu.memref_squeeze %dma_start3A_650 : memref<1x!tpu.dma_semaphore, #tpu.memory_space<semaphore_mem>> -> memref<!tpu.dma_semaphore, #tpu.memory_space<semaphore_mem>>
        tpu.enqueue_indirect_dma source(%dma_start3A_649 : memref<1000000x128xf32, #tpu.memory_space<hbm>>) target(%dma_start3A_643 : memref<50x128xf32, #tpu.memory_space<vmem>>) offsets(%dma_start3A_646 : memref<50xi32, #tpu.memory_space<vmem>>) semaphore(%dma_start3A_651 : memref<!tpu.dma_semaphore, #tpu.memory_space<semaphore_mem>>)
      } else {
      }
      %dma_wait3A_312 = arith.constant 0 : i32
      %dma_wait3A_313 = arith.constant 1 : i32
      %dma_wait3A_314 = arith.constant 1 : i32
      %dma_wait3A_315 = arith.constant 0 : i32
      %dma_wait3A_316 = arith.constant 0 : i32
      %dma_wait3A_317 = tpu.memref_slice %arg6[%dma_wait3A_313, %dma_wait3A_315, %dma_wait3A_316] : memref<8x50x128xf32, #tpu.memory_space<vmem>> -> memref<1x50x128xf32, #tpu.memory_space<vmem>>
      %dma_wait3A_318 = tpu.memref_squeeze %dma_wait3A_317 : memref<1x50x128xf32, #tpu.memory_space<vmem>> -> memref<50x128xf32, #tpu.memory_space<vmem>>
      %dma_wait3A_319 = arith.constant 0 : i32
      %dma_wait3A_320 = tpu.memref_slice %arg5[%dma_wait3A_312, %dma_wait3A_319] : memref<128x50xi32, #tpu.memory_space<vmem>> -> memref<1x50xi32, #tpu.memory_space<vmem>>
      %dma_wait3A_321 = tpu.memref_squeeze %dma_wait3A_320 : memref<1x50xi32, #tpu.memory_space<vmem>> -> memref<50xi32, #tpu.memory_space<vmem>>
      %dma_wait3A_322 = arith.constant 0 : i32
      %dma_wait3A_323 = arith.constant 0 : i32
      %dma_wait3A_324 = tpu.memref_slice %arg3[%dma_wait3A_322, %dma_wait3A_323] : memref<1000000x128xf32, #tpu.memory_space<hbm>> -> memref<1000000x128xf32, #tpu.memory_space<hbm>>
      %dma_wait3A_325 = tpu.memref_slice %arg7[%dma_wait3A_314] : memref<8x!tpu.dma_semaphore, #tpu.memory_space<semaphore_mem>> -> memref<1x!tpu.dma_semaphore, #tpu.memory_space<semaphore_mem>>
      %dma_wait3A_326 = tpu.memref_squeeze %dma_wait3A_325 : memref<1x!tpu.dma_semaphore, #tpu.memory_space<semaphore_mem>> -> memref<!tpu.dma_semaphore, #tpu.memory_space<semaphore_mem>>
      tpu.wait_indirect_dma semaphore(%dma_wait3A_326 : memref<!tpu.dma_semaphore, #tpu.memory_space<semaphore_mem>>) src(%dma_wait3A_324 : memref<1000000x128xf32, #tpu.memory_space<hbm>>) dst(%dma_wait3A_318 : memref<50x128xf32, #tpu.memory_space<vmem>>)
      %add3A_327 = arith.addi %mul3A_2, %add3A_304 : i32
      %dma_start3A_328 = arith.constant 1 : i32
      %dma_start3A_329 = arith.constant 1 : i32
      %dma_start3A_330 = arith.constant 0 : i32
      %dma_start3A_331 = arith.constant 0 : i32
      %dma_start3A_332 = tpu.memref_slice %arg6[%dma_start3A_328, %dma_start3A_330, %dma_start3A_331] : memref<8x50x128xf32, #tpu.memory_space<vmem>> -> memref<1x50x64xf32, #tpu.memory_space<vmem>>
      %dma_start3A_333 = tpu.memref_squeeze %dma_start3A_332 : memref<1x50x64xf32, #tpu.memory_space<vmem>> -> memref<50x64xf32, #tpu.memory_space<vmem>>
      %dma_start3A_334 = arith.constant 0 : i32
      %dma_start3A_335 = arith.constant 0 : i32
      %dma_start3A_336 = tpu.memref_slice %arg4[%add3A_327, %dma_start3A_334, %dma_start3A_335] : memref<4096x50x64xf32, #tpu.memory_space<hbm>> -> memref<1x50x64xf32, #tpu.memory_space<hbm>>
      %dma_start3A_337 = tpu.memref_squeeze %dma_start3A_336 : memref<1x50x64xf32, #tpu.memory_space<hbm>> -> memref<50x64xf32, #tpu.memory_space<hbm>>
      %dma_start3A_338 = tpu.memref_slice %arg8[%dma_start3A_329] : memref<8x!tpu.dma_semaphore, #tpu.memory_space<semaphore_mem>> -> memref<1x!tpu.dma_semaphore, #tpu.memory_space<semaphore_mem>>
      %dma_start3A_339 = tpu.memref_squeeze %dma_start3A_338 : memref<1x!tpu.dma_semaphore, #tpu.memory_space<semaphore_mem>> -> memref<!tpu.dma_semaphore, #tpu.memory_space<semaphore_mem>>
      %dma_start3A_340 = arith.constant 0 : i32
      %dma_start3A_341 = arith.constant 0 : i32
      %dma_start3A_342 = tpu.memref_slice %arg4[%add3A_327, %dma_start3A_340, %dma_start3A_341] : memref<4096x50x64xf32, #tpu.memory_space<hbm>> -> memref<1x50x64xf32, #tpu.memory_space<hbm>>
      %dma_start3A_343 = tpu.memref_squeeze %dma_start3A_342 : memref<1x50x64xf32, #tpu.memory_space<hbm>> -> memref<50x64xf32, #tpu.memory_space<hbm>>
      %dma_start3A_344 = arith.constant 0 : i32
      %dma_start3A_345 = arith.constant 0 : i32
      %dma_start3A_346 = tpu.memref_slice %arg6[%dma_start3A_328, %dma_start3A_344, %dma_start3A_345] : memref<8x50x128xf32, #tpu.memory_space<vmem>> -> memref<1x50x64xf32, #tpu.memory_space<vmem>>
      %dma_start3A_347 = tpu.memref_squeeze %dma_start3A_346 : memref<1x50x64xf32, #tpu.memory_space<vmem>> -> memref<50x64xf32, #tpu.memory_space<vmem>>
      tpu.enqueue_dma source(%dma_start3A_347 : memref<50x64xf32, #tpu.memory_space<vmem>>) target(%dma_start3A_343 : memref<50x64xf32, #tpu.memory_space<hbm>>) target_semaphore(%dma_start3A_339 : memref<!tpu.dma_semaphore, #tpu.memory_space<semaphore_mem>>)
      %mul3A_348 = arith.constant 8 : i32
      %mul3A_349 = arith.muli %scan3A_256, %mul3A_348 : i32
      %add3A_350 = arith.constant 2 : i32
      %add3A_351 = arith.addi %mul3A_349, %add3A_350 : i32
      %add3A_352 = arith.constant 6 : i32
      %add3A_353 = arith.addi %add3A_351, %add3A_352 : i32
      %lt3A_354 = arith.constant 128 : i32
      %lt3A_355 = arith.cmpi slt, %add3A_353, %lt3A_354 : i32
      %convert_element_type3A_356 = arith.extui %lt3A_355 : i1 to i32
      %cond3A_357 = arith.constant 0 : i32
      %cond3A_358 = arith.cmpi ne, %convert_element_type3A_356, %cond3A_357 : i32
      scf.if %cond3A_358 {
        %add3A_630 = arith.constant 6 : i32
        %add3A_631 = arith.addi %add3A_351, %add3A_630 : i32
        %ge3A = arith.constant 8 : i32
        %ge3A_632 = arith.cmpi sge, %add3A_631, %ge3A : i32
        %convert_element_type3A_633 = arith.extui %ge3A_632 : i1 to i32
        %cond3A_634 = arith.constant 0 : i32
        %cond3A_635 = arith.cmpi ne, %convert_element_type3A_633, %cond3A_634 : i32
        scf.if %cond3A_635 {
          %dma_wait3A_652 = arith.constant 0 : i32
          %dma_wait3A_653 = arith.constant 0 : i32
          %dma_wait3A_654 = arith.constant 0 : i32
          %dma_wait3A_655 = arith.constant 0 : i32
          %dma_wait3A_656 = tpu.memref_slice %arg6[%dma_wait3A_652, %dma_wait3A_654, %dma_wait3A_655] : memref<8x50x128xf32, #tpu.memory_space<vmem>> -> memref<1x50x64xf32, #tpu.memory_space<vmem>>
          %dma_wait3A_657 = tpu.memref_squeeze %dma_wait3A_656 : memref<1x50x64xf32, #tpu.memory_space<vmem>> -> memref<50x64xf32, #tpu.memory_space<vmem>>
          %dma_wait3A_658 = arith.constant 0 : i32
          %dma_wait3A_659 = arith.constant 0 : i32
          %dma_wait3A_660 = tpu.memref_slice %arg4[%mul3A_2, %dma_wait3A_658, %dma_wait3A_659] : memref<4096x50x64xf32, #tpu.memory_space<hbm>> -> memref<1x50x64xf32, #tpu.memory_space<hbm>>
          %dma_wait3A_661 = tpu.memref_squeeze %dma_wait3A_660 : memref<1x50x64xf32, #tpu.memory_space<hbm>> -> memref<50x64xf32, #tpu.memory_space<hbm>>
          %dma_wait3A_662 = tpu.memref_slice %arg8[%dma_wait3A_653] : memref<8x!tpu.dma_semaphore, #tpu.memory_space<semaphore_mem>> -> memref<1x!tpu.dma_semaphore, #tpu.memory_space<semaphore_mem>>
          %dma_wait3A_663 = tpu.memref_squeeze %dma_wait3A_662 : memref<1x!tpu.dma_semaphore, #tpu.memory_space<semaphore_mem>> -> memref<!tpu.dma_semaphore, #tpu.memory_space<semaphore_mem>>
          %dma_wait3A_664 = arith.constant 0 : i32
          %dma_wait3A_665 = arith.constant 0 : i32
          %dma_wait3A_666 = tpu.memref_slice %arg4[%mul3A_2, %dma_wait3A_664, %dma_wait3A_665] : memref<4096x50x64xf32, #tpu.memory_space<hbm>> -> memref<1x50x64xf32, #tpu.memory_space<hbm>>
          %dma_wait3A_667 = tpu.memref_squeeze %dma_wait3A_666 : memref<1x50x64xf32, #tpu.memory_space<hbm>> -> memref<50x64xf32, #tpu.memory_space<hbm>>
          %dma_wait3A_668 = arith.constant 0 : i32
          %dma_wait3A_669 = arith.constant 0 : i32
          %dma_wait3A_670 = tpu.memref_slice %arg6[%dma_wait3A_652, %dma_wait3A_668, %dma_wait3A_669] : memref<8x50x128xf32, #tpu.memory_space<vmem>> -> memref<1x50x64xf32, #tpu.memory_space<vmem>>
          %dma_wait3A_671 = tpu.memref_squeeze %dma_wait3A_670 : memref<1x50x64xf32, #tpu.memory_space<vmem>> -> memref<50x64xf32, #tpu.memory_space<vmem>>
          tpu.wait_dma2 semaphore(%dma_wait3A_663 : memref<!tpu.dma_semaphore, #tpu.memory_space<semaphore_mem>>) src(%dma_wait3A_671 : memref<50x64xf32, #tpu.memory_space<vmem>>) dst(%dma_wait3A_667 : memref<50x64xf32, #tpu.memory_space<hbm>>)
        } else {
        }
        %add3A_636 = arith.constant 6 : i32
        %add3A_637 = arith.addi %add3A_351, %add3A_636 : i32
        %dma_start3A_638 = arith.constant 0 : i32
        %dma_start3A_639 = arith.constant 0 : i32
        %dma_start3A_640 = arith.constant 0 : i32
        %dma_start3A_641 = arith.constant 0 : i32
        %dma_start3A_642 = tpu.memref_slice %arg6[%dma_start3A_638, %dma_start3A_640, %dma_start3A_641] : memref<8x50x128xf32, #tpu.memory_space<vmem>> -> memref<1x50x128xf32, #tpu.memory_space<vmem>>
        %dma_start3A_643 = tpu.memref_squeeze %dma_start3A_642 : memref<1x50x128xf32, #tpu.memory_space<vmem>> -> memref<50x128xf32, #tpu.memory_space<vmem>>
        %dma_start3A_644 = arith.constant 0 : i32
        %dma_start3A_645 = tpu.memref_slice %arg5[%add3A_637, %dma_start3A_644] : memref<128x50xi32, #tpu.memory_space<vmem>> -> memref<1x50xi32, #tpu.memory_space<vmem>>
        %dma_start3A_646 = tpu.memref_squeeze %dma_start3A_645 : memref<1x50xi32, #tpu.memory_space<vmem>> -> memref<50xi32, #tpu.memory_space<vmem>>
        %dma_start3A_647 = arith.constant 0 : i32
        %dma_start3A_648 = arith.constant 0 : i32
        %dma_start3A_649 = tpu.memref_slice %arg3[%dma_start3A_647, %dma_start3A_648] : memref<1000000x128xf32, #tpu.memory_space<hbm>> -> memref<1000000x128xf32, #tpu.memory_space<hbm>>
        %dma_start3A_650 = tpu.memref_slice %arg7[%dma_start3A_639] : memref<8x!tpu.dma_semaphore, #tpu.memory_space<semaphore_mem>> -> memref<1x!tpu.dma_semaphore, #tpu.memory_space<semaphore_mem>>
        %dma_start3A_651 = tpu.memref_squeeze %dma_start3A_650 : memref<1x!tpu.dma_semaphore, #tpu.memory_space<semaphore_mem>> -> memref<!tpu.dma_semaphore, #tpu.memory_space<semaphore_mem>>
        tpu.enqueue_indirect_dma source(%dma_start3A_649 : memref<1000000x128xf32, #tpu.memory_space<hbm>>) target(%dma_start3A_643 : memref<50x128xf32, #tpu.memory_space<vmem>>) offsets(%dma_start3A_646 : memref<50xi32, #tpu.memory_space<vmem>>) semaphore(%dma_start3A_651 : memref<!tpu.dma_semaphore, #tpu.memory_space<semaphore_mem>>)
      } else {
      }
      %dma_wait3A_359 = arith.constant 0 : i32
      %dma_wait3A_360 = arith.constant 2 : i32
      %dma_wait3A_361 = arith.constant 2 : i32
      %dma_wait3A_362 = arith.constant 0 : i32
      %dma_wait3A_363 = arith.constant 0 : i32
      %dma_wait3A_364 = tpu.memref_slice %arg6[%dma_wait3A_360, %dma_wait3A_362, %dma_wait3A_363] : memref<8x50x128xf32, #tpu.memory_space<vmem>> -> memref<1x50x128xf32, #tpu.memory_space<vmem>>
      %dma_wait3A_365 = tpu.memref_squeeze %dma_wait3A_364 : memref<1x50x128xf32, #tpu.memory_space<vmem>> -> memref<50x128xf32, #tpu.memory_space<vmem>>
      %dma_wait3A_366 = arith.constant 0 : i32
      %dma_wait3A_367 = tpu.memref_slice %arg5[%dma_wait3A_359, %dma_wait3A_366] : memref<128x50xi32, #tpu.memory_space<vmem>> -> memref<1x50xi32, #tpu.memory_space<vmem>>
      %dma_wait3A_368 = tpu.memref_squeeze %dma_wait3A_367 : memref<1x50xi32, #tpu.memory_space<vmem>> -> memref<50xi32, #tpu.memory_space<vmem>>
      %dma_wait3A_369 = arith.constant 0 : i32
      %dma_wait3A_370 = arith.constant 0 : i32
      %dma_wait3A_371 = tpu.memref_slice %arg3[%dma_wait3A_369, %dma_wait3A_370] : memref<1000000x128xf32, #tpu.memory_space<hbm>> -> memref<1000000x128xf32, #tpu.memory_space<hbm>>
      %dma_wait3A_372 = tpu.memref_slice %arg7[%dma_wait3A_361] : memref<8x!tpu.dma_semaphore, #tpu.memory_space<semaphore_mem>> -> memref<1x!tpu.dma_semaphore, #tpu.memory_space<semaphore_mem>>
      %dma_wait3A_373 = tpu.memref_squeeze %dma_wait3A_372 : memref<1x!tpu.dma_semaphore, #tpu.memory_space<semaphore_mem>> -> memref<!tpu.dma_semaphore, #tpu.memory_space<semaphore_mem>>
      tpu.wait_indirect_dma semaphore(%dma_wait3A_373 : memref<!tpu.dma_semaphore, #tpu.memory_space<semaphore_mem>>) src(%dma_wait3A_371 : memref<1000000x128xf32, #tpu.memory_space<hbm>>) dst(%dma_wait3A_365 : memref<50x128xf32, #tpu.memory_space<vmem>>)
      %add3A_374 = arith.addi %mul3A_2, %add3A_351 : i32
      %dma_start3A_375 = arith.constant 2 : i32
      %dma_start3A_376 = arith.constant 2 : i32
      %dma_start3A_377 = arith.constant 0 : i32
      %dma_start3A_378 = arith.constant 0 : i32
      %dma_start3A_379 = tpu.memref_slice %arg6[%dma_start3A_375, %dma_start3A_377, %dma_start3A_378] : memref<8x50x128xf32, #tpu.memory_space<vmem>> -> memref<1x50x64xf32, #tpu.memory_space<vmem>>
      %dma_start3A_380 = tpu.memref_squeeze %dma_start3A_379 : memref<1x50x64xf32, #tpu.memory_space<vmem>> -> memref<50x64xf32, #tpu.memory_space<vmem>>
      %dma_start3A_381 = arith.constant 0 : i32
      %dma_start3A_382 = arith.constant 0 : i32
      %dma_start3A_383 = tpu.memref_slice %arg4[%add3A_374, %dma_start3A_381, %dma_start3A_382] : memref<4096x50x64xf32, #tpu.memory_space<hbm>> -> memref<1x50x64xf32, #tpu.memory_space<hbm>>
      %dma_start3A_384 = tpu.memref_squeeze %dma_start3A_383 : memref<1x50x64xf32, #tpu.memory_space<hbm>> -> memref<50x64xf32, #tpu.memory_space<hbm>>
      %dma_start3A_385 = tpu.memref_slice %arg8[%dma_start3A_376] : memref<8x!tpu.dma_semaphore, #tpu.memory_space<semaphore_mem>> -> memref<1x!tpu.dma_semaphore, #tpu.memory_space<semaphore_mem>>
      %dma_start3A_386 = tpu.memref_squeeze %dma_start3A_385 : memref<1x!tpu.dma_semaphore, #tpu.memory_space<semaphore_mem>> -> memref<!tpu.dma_semaphore, #tpu.memory_space<semaphore_mem>>
      %dma_start3A_387 = arith.constant 0 : i32
      %dma_start3A_388 = arith.constant 0 : i32
      %dma_start3A_389 = tpu.memref_slice %arg4[%add3A_374, %dma_start3A_387, %dma_start3A_388] : memref<4096x50x64xf32, #tpu.memory_space<hbm>> -> memref<1x50x64xf32, #tpu.memory_space<hbm>>
      %dma_start3A_390 = tpu.memref_squeeze %dma_start3A_389 : memref<1x50x64xf32, #tpu.memory_space<hbm>> -> memref<50x64xf32, #tpu.memory_space<hbm>>
      %dma_start3A_391 = arith.constant 0 : i32
      %dma_start3A_392 = arith.constant 0 : i32
      %dma_start3A_393 = tpu.memref_slice %arg6[%dma_start3A_375, %dma_start3A_391, %dma_start3A_392] : memref<8x50x128xf32, #tpu.memory_space<vmem>> -> memref<1x50x64xf32, #tpu.memory_space<vmem>>
      %dma_start3A_394 = tpu.memref_squeeze %dma_start3A_393 : memref<1x50x64xf32, #tpu.memory_space<vmem>> -> memref<50x64xf32, #tpu.memory_space<vmem>>
      tpu.enqueue_dma source(%dma_start3A_394 : memref<50x64xf32, #tpu.memory_space<vmem>>) target(%dma_start3A_390 : memref<50x64xf32, #tpu.memory_space<hbm>>) target_semaphore(%dma_start3A_386 : memref<!tpu.dma_semaphore, #tpu.memory_space<semaphore_mem>>)
      %mul3A_395 = arith.constant 8 : i32
      %mul3A_396 = arith.muli %scan3A_256, %mul3A_395 : i32
      %add3A_397 = arith.constant 3 : i32
      %add3A_398 = arith.addi %mul3A_396, %add3A_397 : i32
      %add3A_399 = arith.constant 6 : i32
      %add3A_400 = arith.addi %add3A_398, %add3A_399 : i32
      %lt3A_401 = arith.constant 128 : i32
      %lt3A_402 = arith.cmpi slt, %add3A_400, %lt3A_401 : i32
      %convert_element_type3A_403 = arith.extui %lt3A_402 : i1 to i32
      %cond3A_404 = arith.constant 0 : i32
      %cond3A_405 = arith.cmpi ne, %convert_element_type3A_403, %cond3A_404 : i32
      scf.if %cond3A_405 {
        %add3A_630 = arith.constant 6 : i32
        %add3A_631 = arith.addi %add3A_398, %add3A_630 : i32
        %ge3A = arith.constant 8 : i32
        %ge3A_632 = arith.cmpi sge, %add3A_631, %ge3A : i32
        %convert_element_type3A_633 = arith.extui %ge3A_632 : i1 to i32
        %cond3A_634 = arith.constant 0 : i32
        %cond3A_635 = arith.cmpi ne, %convert_element_type3A_633, %cond3A_634 : i32
        scf.if %cond3A_635 {
          %dma_wait3A_652 = arith.constant 1 : i32
          %dma_wait3A_653 = arith.constant 1 : i32
          %dma_wait3A_654 = arith.constant 0 : i32
          %dma_wait3A_655 = arith.constant 0 : i32
          %dma_wait3A_656 = tpu.memref_slice %arg6[%dma_wait3A_652, %dma_wait3A_654, %dma_wait3A_655] : memref<8x50x128xf32, #tpu.memory_space<vmem>> -> memref<1x50x64xf32, #tpu.memory_space<vmem>>
          %dma_wait3A_657 = tpu.memref_squeeze %dma_wait3A_656 : memref<1x50x64xf32, #tpu.memory_space<vmem>> -> memref<50x64xf32, #tpu.memory_space<vmem>>
          %dma_wait3A_658 = arith.constant 0 : i32
          %dma_wait3A_659 = arith.constant 0 : i32
          %dma_wait3A_660 = tpu.memref_slice %arg4[%mul3A_2, %dma_wait3A_658, %dma_wait3A_659] : memref<4096x50x64xf32, #tpu.memory_space<hbm>> -> memref<1x50x64xf32, #tpu.memory_space<hbm>>
          %dma_wait3A_661 = tpu.memref_squeeze %dma_wait3A_660 : memref<1x50x64xf32, #tpu.memory_space<hbm>> -> memref<50x64xf32, #tpu.memory_space<hbm>>
          %dma_wait3A_662 = tpu.memref_slice %arg8[%dma_wait3A_653] : memref<8x!tpu.dma_semaphore, #tpu.memory_space<semaphore_mem>> -> memref<1x!tpu.dma_semaphore, #tpu.memory_space<semaphore_mem>>
          %dma_wait3A_663 = tpu.memref_squeeze %dma_wait3A_662 : memref<1x!tpu.dma_semaphore, #tpu.memory_space<semaphore_mem>> -> memref<!tpu.dma_semaphore, #tpu.memory_space<semaphore_mem>>
          %dma_wait3A_664 = arith.constant 0 : i32
          %dma_wait3A_665 = arith.constant 0 : i32
          %dma_wait3A_666 = tpu.memref_slice %arg4[%mul3A_2, %dma_wait3A_664, %dma_wait3A_665] : memref<4096x50x64xf32, #tpu.memory_space<hbm>> -> memref<1x50x64xf32, #tpu.memory_space<hbm>>
          %dma_wait3A_667 = tpu.memref_squeeze %dma_wait3A_666 : memref<1x50x64xf32, #tpu.memory_space<hbm>> -> memref<50x64xf32, #tpu.memory_space<hbm>>
          %dma_wait3A_668 = arith.constant 0 : i32
          %dma_wait3A_669 = arith.constant 0 : i32
          %dma_wait3A_670 = tpu.memref_slice %arg6[%dma_wait3A_652, %dma_wait3A_668, %dma_wait3A_669] : memref<8x50x128xf32, #tpu.memory_space<vmem>> -> memref<1x50x64xf32, #tpu.memory_space<vmem>>
          %dma_wait3A_671 = tpu.memref_squeeze %dma_wait3A_670 : memref<1x50x64xf32, #tpu.memory_space<vmem>> -> memref<50x64xf32, #tpu.memory_space<vmem>>
          tpu.wait_dma2 semaphore(%dma_wait3A_663 : memref<!tpu.dma_semaphore, #tpu.memory_space<semaphore_mem>>) src(%dma_wait3A_671 : memref<50x64xf32, #tpu.memory_space<vmem>>) dst(%dma_wait3A_667 : memref<50x64xf32, #tpu.memory_space<hbm>>)
        } else {
        }
        %add3A_636 = arith.constant 6 : i32
        %add3A_637 = arith.addi %add3A_398, %add3A_636 : i32
        %dma_start3A_638 = arith.constant 1 : i32
        %dma_start3A_639 = arith.constant 1 : i32
        %dma_start3A_640 = arith.constant 0 : i32
        %dma_start3A_641 = arith.constant 0 : i32
        %dma_start3A_642 = tpu.memref_slice %arg6[%dma_start3A_638, %dma_start3A_640, %dma_start3A_641] : memref<8x50x128xf32, #tpu.memory_space<vmem>> -> memref<1x50x128xf32, #tpu.memory_space<vmem>>
        %dma_start3A_643 = tpu.memref_squeeze %dma_start3A_642 : memref<1x50x128xf32, #tpu.memory_space<vmem>> -> memref<50x128xf32, #tpu.memory_space<vmem>>
        %dma_start3A_644 = arith.constant 0 : i32
        %dma_start3A_645 = tpu.memref_slice %arg5[%add3A_637, %dma_start3A_644] : memref<128x50xi32, #tpu.memory_space<vmem>> -> memref<1x50xi32, #tpu.memory_space<vmem>>
        %dma_start3A_646 = tpu.memref_squeeze %dma_start3A_645 : memref<1x50xi32, #tpu.memory_space<vmem>> -> memref<50xi32, #tpu.memory_space<vmem>>
        %dma_start3A_647 = arith.constant 0 : i32
        %dma_start3A_648 = arith.constant 0 : i32
        %dma_start3A_649 = tpu.memref_slice %arg3[%dma_start3A_647, %dma_start3A_648] : memref<1000000x128xf32, #tpu.memory_space<hbm>> -> memref<1000000x128xf32, #tpu.memory_space<hbm>>
        %dma_start3A_650 = tpu.memref_slice %arg7[%dma_start3A_639] : memref<8x!tpu.dma_semaphore, #tpu.memory_space<semaphore_mem>> -> memref<1x!tpu.dma_semaphore, #tpu.memory_space<semaphore_mem>>
        %dma_start3A_651 = tpu.memref_squeeze %dma_start3A_650 : memref<1x!tpu.dma_semaphore, #tpu.memory_space<semaphore_mem>> -> memref<!tpu.dma_semaphore, #tpu.memory_space<semaphore_mem>>
        tpu.enqueue_indirect_dma source(%dma_start3A_649 : memref<1000000x128xf32, #tpu.memory_space<hbm>>) target(%dma_start3A_643 : memref<50x128xf32, #tpu.memory_space<vmem>>) offsets(%dma_start3A_646 : memref<50xi32, #tpu.memory_space<vmem>>) semaphore(%dma_start3A_651 : memref<!tpu.dma_semaphore, #tpu.memory_space<semaphore_mem>>)
      } else {
      }
      %dma_wait3A_406 = arith.constant 0 : i32
      %dma_wait3A_407 = arith.constant 3 : i32
      %dma_wait3A_408 = arith.constant 3 : i32
      %dma_wait3A_409 = arith.constant 0 : i32
      %dma_wait3A_410 = arith.constant 0 : i32
      %dma_wait3A_411 = tpu.memref_slice %arg6[%dma_wait3A_407, %dma_wait3A_409, %dma_wait3A_410] : memref<8x50x128xf32, #tpu.memory_space<vmem>> -> memref<1x50x128xf32, #tpu.memory_space<vmem>>
      %dma_wait3A_412 = tpu.memref_squeeze %dma_wait3A_411 : memref<1x50x128xf32, #tpu.memory_space<vmem>> -> memref<50x128xf32, #tpu.memory_space<vmem>>
      %dma_wait3A_413 = arith.constant 0 : i32
      %dma_wait3A_414 = tpu.memref_slice %arg5[%dma_wait3A_406, %dma_wait3A_413] : memref<128x50xi32, #tpu.memory_space<vmem>> -> memref<1x50xi32, #tpu.memory_space<vmem>>
      %dma_wait3A_415 = tpu.memref_squeeze %dma_wait3A_414 : memref<1x50xi32, #tpu.memory_space<vmem>> -> memref<50xi32, #tpu.memory_space<vmem>>
      %dma_wait3A_416 = arith.constant 0 : i32
      %dma_wait3A_417 = arith.constant 0 : i32
      %dma_wait3A_418 = tpu.memref_slice %arg3[%dma_wait3A_416, %dma_wait3A_417] : memref<1000000x128xf32, #tpu.memory_space<hbm>> -> memref<1000000x128xf32, #tpu.memory_space<hbm>>
      %dma_wait3A_419 = tpu.memref_slice %arg7[%dma_wait3A_408] : memref<8x!tpu.dma_semaphore, #tpu.memory_space<semaphore_mem>> -> memref<1x!tpu.dma_semaphore, #tpu.memory_space<semaphore_mem>>
      %dma_wait3A_420 = tpu.memref_squeeze %dma_wait3A_419 : memref<1x!tpu.dma_semaphore, #tpu.memory_space<semaphore_mem>> -> memref<!tpu.dma_semaphore, #tpu.memory_space<semaphore_mem>>
      tpu.wait_indirect_dma semaphore(%dma_wait3A_420 : memref<!tpu.dma_semaphore, #tpu.memory_space<semaphore_mem>>) src(%dma_wait3A_418 : memref<1000000x128xf32, #tpu.memory_space<hbm>>) dst(%dma_wait3A_412 : memref<50x128xf32, #tpu.memory_space<vmem>>)
      %add3A_421 = arith.addi %mul3A_2, %add3A_398 : i32
      %dma_start3A_422 = arith.constant 3 : i32
      %dma_start3A_423 = arith.constant 3 : i32
      %dma_start3A_424 = arith.constant 0 : i32
      %dma_start3A_425 = arith.constant 0 : i32
      %dma_start3A_426 = tpu.memref_slice %arg6[%dma_start3A_422, %dma_start3A_424, %dma_start3A_425] : memref<8x50x128xf32, #tpu.memory_space<vmem>> -> memref<1x50x64xf32, #tpu.memory_space<vmem>>
      %dma_start3A_427 = tpu.memref_squeeze %dma_start3A_426 : memref<1x50x64xf32, #tpu.memory_space<vmem>> -> memref<50x64xf32, #tpu.memory_space<vmem>>
      %dma_start3A_428 = arith.constant 0 : i32
      %dma_start3A_429 = arith.constant 0 : i32
      %dma_start3A_430 = tpu.memref_slice %arg4[%add3A_421, %dma_start3A_428, %dma_start3A_429] : memref<4096x50x64xf32, #tpu.memory_space<hbm>> -> memref<1x50x64xf32, #tpu.memory_space<hbm>>
      %dma_start3A_431 = tpu.memref_squeeze %dma_start3A_430 : memref<1x50x64xf32, #tpu.memory_space<hbm>> -> memref<50x64xf32, #tpu.memory_space<hbm>>
      %dma_start3A_432 = tpu.memref_slice %arg8[%dma_start3A_423] : memref<8x!tpu.dma_semaphore, #tpu.memory_space<semaphore_mem>> -> memref<1x!tpu.dma_semaphore, #tpu.memory_space<semaphore_mem>>
      %dma_start3A_433 = tpu.memref_squeeze %dma_start3A_432 : memref<1x!tpu.dma_semaphore, #tpu.memory_space<semaphore_mem>> -> memref<!tpu.dma_semaphore, #tpu.memory_space<semaphore_mem>>
      %dma_start3A_434 = arith.constant 0 : i32
      %dma_start3A_435 = arith.constant 0 : i32
      %dma_start3A_436 = tpu.memref_slice %arg4[%add3A_421, %dma_start3A_434, %dma_start3A_435] : memref<4096x50x64xf32, #tpu.memory_space<hbm>> -> memref<1x50x64xf32, #tpu.memory_space<hbm>>
      %dma_start3A_437 = tpu.memref_squeeze %dma_start3A_436 : memref<1x50x64xf32, #tpu.memory_space<hbm>> -> memref<50x64xf32, #tpu.memory_space<hbm>>
      %dma_start3A_438 = arith.constant 0 : i32
      %dma_start3A_439 = arith.constant 0 : i32
      %dma_start3A_440 = tpu.memref_slice %arg6[%dma_start3A_422, %dma_start3A_438, %dma_start3A_439] : memref<8x50x128xf32, #tpu.memory_space<vmem>> -> memref<1x50x64xf32, #tpu.memory_space<vmem>>
      %dma_start3A_441 = tpu.memref_squeeze %dma_start3A_440 : memref<1x50x64xf32, #tpu.memory_space<vmem>> -> memref<50x64xf32, #tpu.memory_space<vmem>>
      tpu.enqueue_dma source(%dma_start3A_441 : memref<50x64xf32, #tpu.memory_space<vmem>>) target(%dma_start3A_437 : memref<50x64xf32, #tpu.memory_space<hbm>>) target_semaphore(%dma_start3A_433 : memref<!tpu.dma_semaphore, #tpu.memory_space<semaphore_mem>>)
      %mul3A_442 = arith.constant 8 : i32
      %mul3A_443 = arith.muli %scan3A_256, %mul3A_442 : i32
      %add3A_444 = arith.constant 4 : i32
      %add3A_445 = arith.addi %mul3A_443, %add3A_444 : i32
      %add3A_446 = arith.constant 6 : i32
      %add3A_447 = arith.addi %add3A_445, %add3A_446 : i32
      %lt3A_448 = arith.constant 128 : i32
      %lt3A_449 = arith.cmpi slt, %add3A_447, %lt3A_448 : i32
      %convert_element_type3A_450 = arith.extui %lt3A_449 : i1 to i32
      %cond3A_451 = arith.constant 0 : i32
      %cond3A_452 = arith.cmpi ne, %convert_element_type3A_450, %cond3A_451 : i32
      scf.if %cond3A_452 {
        %add3A_630 = arith.constant 6 : i32
        %add3A_631 = arith.addi %add3A_445, %add3A_630 : i32
        %ge3A = arith.constant 8 : i32
        %ge3A_632 = arith.cmpi sge, %add3A_631, %ge3A : i32
        %convert_element_type3A_633 = arith.extui %ge3A_632 : i1 to i32
        %cond3A_634 = arith.constant 0 : i32
        %cond3A_635 = arith.cmpi ne, %convert_element_type3A_633, %cond3A_634 : i32
        scf.if %cond3A_635 {
          %dma_wait3A_652 = arith.constant 2 : i32
          %dma_wait3A_653 = arith.constant 2 : i32
          %dma_wait3A_654 = arith.constant 0 : i32
          %dma_wait3A_655 = arith.constant 0 : i32
          %dma_wait3A_656 = tpu.memref_slice %arg6[%dma_wait3A_652, %dma_wait3A_654, %dma_wait3A_655] : memref<8x50x128xf32, #tpu.memory_space<vmem>> -> memref<1x50x64xf32, #tpu.memory_space<vmem>>
          %dma_wait3A_657 = tpu.memref_squeeze %dma_wait3A_656 : memref<1x50x64xf32, #tpu.memory_space<vmem>> -> memref<50x64xf32, #tpu.memory_space<vmem>>
          %dma_wait3A_658 = arith.constant 0 : i32
          %dma_wait3A_659 = arith.constant 0 : i32
          %dma_wait3A_660 = tpu.memref_slice %arg4[%mul3A_2, %dma_wait3A_658, %dma_wait3A_659] : memref<4096x50x64xf32, #tpu.memory_space<hbm>> -> memref<1x50x64xf32, #tpu.memory_space<hbm>>
          %dma_wait3A_661 = tpu.memref_squeeze %dma_wait3A_660 : memref<1x50x64xf32, #tpu.memory_space<hbm>> -> memref<50x64xf32, #tpu.memory_space<hbm>>
          %dma_wait3A_662 = tpu.memref_slice %arg8[%dma_wait3A_653] : memref<8x!tpu.dma_semaphore, #tpu.memory_space<semaphore_mem>> -> memref<1x!tpu.dma_semaphore, #tpu.memory_space<semaphore_mem>>
          %dma_wait3A_663 = tpu.memref_squeeze %dma_wait3A_662 : memref<1x!tpu.dma_semaphore, #tpu.memory_space<semaphore_mem>> -> memref<!tpu.dma_semaphore, #tpu.memory_space<semaphore_mem>>
          %dma_wait3A_664 = arith.constant 0 : i32
          %dma_wait3A_665 = arith.constant 0 : i32
          %dma_wait3A_666 = tpu.memref_slice %arg4[%mul3A_2, %dma_wait3A_664, %dma_wait3A_665] : memref<4096x50x64xf32, #tpu.memory_space<hbm>> -> memref<1x50x64xf32, #tpu.memory_space<hbm>>
          %dma_wait3A_667 = tpu.memref_squeeze %dma_wait3A_666 : memref<1x50x64xf32, #tpu.memory_space<hbm>> -> memref<50x64xf32, #tpu.memory_space<hbm>>
          %dma_wait3A_668 = arith.constant 0 : i32
          %dma_wait3A_669 = arith.constant 0 : i32
          %dma_wait3A_670 = tpu.memref_slice %arg6[%dma_wait3A_652, %dma_wait3A_668, %dma_wait3A_669] : memref<8x50x128xf32, #tpu.memory_space<vmem>> -> memref<1x50x64xf32, #tpu.memory_space<vmem>>
          %dma_wait3A_671 = tpu.memref_squeeze %dma_wait3A_670 : memref<1x50x64xf32, #tpu.memory_space<vmem>> -> memref<50x64xf32, #tpu.memory_space<vmem>>
          tpu.wait_dma2 semaphore(%dma_wait3A_663 : memref<!tpu.dma_semaphore, #tpu.memory_space<semaphore_mem>>) src(%dma_wait3A_671 : memref<50x64xf32, #tpu.memory_space<vmem>>) dst(%dma_wait3A_667 : memref<50x64xf32, #tpu.memory_space<hbm>>)
        } else {
        }
        %add3A_636 = arith.constant 6 : i32
        %add3A_637 = arith.addi %add3A_445, %add3A_636 : i32
        %dma_start3A_638 = arith.constant 2 : i32
        %dma_start3A_639 = arith.constant 2 : i32
        %dma_start3A_640 = arith.constant 0 : i32
        %dma_start3A_641 = arith.constant 0 : i32
        %dma_start3A_642 = tpu.memref_slice %arg6[%dma_start3A_638, %dma_start3A_640, %dma_start3A_641] : memref<8x50x128xf32, #tpu.memory_space<vmem>> -> memref<1x50x128xf32, #tpu.memory_space<vmem>>
        %dma_start3A_643 = tpu.memref_squeeze %dma_start3A_642 : memref<1x50x128xf32, #tpu.memory_space<vmem>> -> memref<50x128xf32, #tpu.memory_space<vmem>>
        %dma_start3A_644 = arith.constant 0 : i32
        %dma_start3A_645 = tpu.memref_slice %arg5[%add3A_637, %dma_start3A_644] : memref<128x50xi32, #tpu.memory_space<vmem>> -> memref<1x50xi32, #tpu.memory_space<vmem>>
        %dma_start3A_646 = tpu.memref_squeeze %dma_start3A_645 : memref<1x50xi32, #tpu.memory_space<vmem>> -> memref<50xi32, #tpu.memory_space<vmem>>
        %dma_start3A_647 = arith.constant 0 : i32
        %dma_start3A_648 = arith.constant 0 : i32
        %dma_start3A_649 = tpu.memref_slice %arg3[%dma_start3A_647, %dma_start3A_648] : memref<1000000x128xf32, #tpu.memory_space<hbm>> -> memref<1000000x128xf32, #tpu.memory_space<hbm>>
        %dma_start3A_650 = tpu.memref_slice %arg7[%dma_start3A_639] : memref<8x!tpu.dma_semaphore, #tpu.memory_space<semaphore_mem>> -> memref<1x!tpu.dma_semaphore, #tpu.memory_space<semaphore_mem>>
        %dma_start3A_651 = tpu.memref_squeeze %dma_start3A_650 : memref<1x!tpu.dma_semaphore, #tpu.memory_space<semaphore_mem>> -> memref<!tpu.dma_semaphore, #tpu.memory_space<semaphore_mem>>
        tpu.enqueue_indirect_dma source(%dma_start3A_649 : memref<1000000x128xf32, #tpu.memory_space<hbm>>) target(%dma_start3A_643 : memref<50x128xf32, #tpu.memory_space<vmem>>) offsets(%dma_start3A_646 : memref<50xi32, #tpu.memory_space<vmem>>) semaphore(%dma_start3A_651 : memref<!tpu.dma_semaphore, #tpu.memory_space<semaphore_mem>>)
      } else {
      }
      %dma_wait3A_453 = arith.constant 0 : i32
      %dma_wait3A_454 = arith.constant 4 : i32
      %dma_wait3A_455 = arith.constant 4 : i32
      %dma_wait3A_456 = arith.constant 0 : i32
      %dma_wait3A_457 = arith.constant 0 : i32
      %dma_wait3A_458 = tpu.memref_slice %arg6[%dma_wait3A_454, %dma_wait3A_456, %dma_wait3A_457] : memref<8x50x128xf32, #tpu.memory_space<vmem>> -> memref<1x50x128xf32, #tpu.memory_space<vmem>>
      %dma_wait3A_459 = tpu.memref_squeeze %dma_wait3A_458 : memref<1x50x128xf32, #tpu.memory_space<vmem>> -> memref<50x128xf32, #tpu.memory_space<vmem>>
      %dma_wait3A_460 = arith.constant 0 : i32
      %dma_wait3A_461 = tpu.memref_slice %arg5[%dma_wait3A_453, %dma_wait3A_460] : memref<128x50xi32, #tpu.memory_space<vmem>> -> memref<1x50xi32, #tpu.memory_space<vmem>>
      %dma_wait3A_462 = tpu.memref_squeeze %dma_wait3A_461 : memref<1x50xi32, #tpu.memory_space<vmem>> -> memref<50xi32, #tpu.memory_space<vmem>>
      %dma_wait3A_463 = arith.constant 0 : i32
      %dma_wait3A_464 = arith.constant 0 : i32
      %dma_wait3A_465 = tpu.memref_slice %arg3[%dma_wait3A_463, %dma_wait3A_464] : memref<1000000x128xf32, #tpu.memory_space<hbm>> -> memref<1000000x128xf32, #tpu.memory_space<hbm>>
      %dma_wait3A_466 = tpu.memref_slice %arg7[%dma_wait3A_455] : memref<8x!tpu.dma_semaphore, #tpu.memory_space<semaphore_mem>> -> memref<1x!tpu.dma_semaphore, #tpu.memory_space<semaphore_mem>>
      %dma_wait3A_467 = tpu.memref_squeeze %dma_wait3A_466 : memref<1x!tpu.dma_semaphore, #tpu.memory_space<semaphore_mem>> -> memref<!tpu.dma_semaphore, #tpu.memory_space<semaphore_mem>>
      tpu.wait_indirect_dma semaphore(%dma_wait3A_467 : memref<!tpu.dma_semaphore, #tpu.memory_space<semaphore_mem>>) src(%dma_wait3A_465 : memref<1000000x128xf32, #tpu.memory_space<hbm>>) dst(%dma_wait3A_459 : memref<50x128xf32, #tpu.memory_space<vmem>>)
      %add3A_468 = arith.addi %mul3A_2, %add3A_445 : i32
      %dma_start3A_469 = arith.constant 4 : i32
      %dma_start3A_470 = arith.constant 4 : i32
      %dma_start3A_471 = arith.constant 0 : i32
      %dma_start3A_472 = arith.constant 0 : i32
      %dma_start3A_473 = tpu.memref_slice %arg6[%dma_start3A_469, %dma_start3A_471, %dma_start3A_472] : memref<8x50x128xf32, #tpu.memory_space<vmem>> -> memref<1x50x64xf32, #tpu.memory_space<vmem>>
      %dma_start3A_474 = tpu.memref_squeeze %dma_start3A_473 : memref<1x50x64xf32, #tpu.memory_space<vmem>> -> memref<50x64xf32, #tpu.memory_space<vmem>>
      %dma_start3A_475 = arith.constant 0 : i32
      %dma_start3A_476 = arith.constant 0 : i32
      %dma_start3A_477 = tpu.memref_slice %arg4[%add3A_468, %dma_start3A_475, %dma_start3A_476] : memref<4096x50x64xf32, #tpu.memory_space<hbm>> -> memref<1x50x64xf32, #tpu.memory_space<hbm>>
      %dma_start3A_478 = tpu.memref_squeeze %dma_start3A_477 : memref<1x50x64xf32, #tpu.memory_space<hbm>> -> memref<50x64xf32, #tpu.memory_space<hbm>>
      %dma_start3A_479 = tpu.memref_slice %arg8[%dma_start3A_470] : memref<8x!tpu.dma_semaphore, #tpu.memory_space<semaphore_mem>> -> memref<1x!tpu.dma_semaphore, #tpu.memory_space<semaphore_mem>>
      %dma_start3A_480 = tpu.memref_squeeze %dma_start3A_479 : memref<1x!tpu.dma_semaphore, #tpu.memory_space<semaphore_mem>> -> memref<!tpu.dma_semaphore, #tpu.memory_space<semaphore_mem>>
      %dma_start3A_481 = arith.constant 0 : i32
      %dma_start3A_482 = arith.constant 0 : i32
      %dma_start3A_483 = tpu.memref_slice %arg4[%add3A_468, %dma_start3A_481, %dma_start3A_482] : memref<4096x50x64xf32, #tpu.memory_space<hbm>> -> memref<1x50x64xf32, #tpu.memory_space<hbm>>
      %dma_start3A_484 = tpu.memref_squeeze %dma_start3A_483 : memref<1x50x64xf32, #tpu.memory_space<hbm>> -> memref<50x64xf32, #tpu.memory_space<hbm>>
      %dma_start3A_485 = arith.constant 0 : i32
      %dma_start3A_486 = arith.constant 0 : i32
      %dma_start3A_487 = tpu.memref_slice %arg6[%dma_start3A_469, %dma_start3A_485, %dma_start3A_486] : memref<8x50x128xf32, #tpu.memory_space<vmem>> -> memref<1x50x64xf32, #tpu.memory_space<vmem>>
      %dma_start3A_488 = tpu.memref_squeeze %dma_start3A_487 : memref<1x50x64xf32, #tpu.memory_space<vmem>> -> memref<50x64xf32, #tpu.memory_space<vmem>>
      tpu.enqueue_dma source(%dma_start3A_488 : memref<50x64xf32, #tpu.memory_space<vmem>>) target(%dma_start3A_484 : memref<50x64xf32, #tpu.memory_space<hbm>>) target_semaphore(%dma_start3A_480 : memref<!tpu.dma_semaphore, #tpu.memory_space<semaphore_mem>>)
      %mul3A_489 = arith.constant 8 : i32
      %mul3A_490 = arith.muli %scan3A_256, %mul3A_489 : i32
      %add3A_491 = arith.constant 5 : i32
      %add3A_492 = arith.addi %mul3A_490, %add3A_491 : i32
      %add3A_493 = arith.constant 6 : i32
      %add3A_494 = arith.addi %add3A_492, %add3A_493 : i32
      %lt3A_495 = arith.constant 128 : i32
      %lt3A_496 = arith.cmpi slt, %add3A_494, %lt3A_495 : i32
      %convert_element_type3A_497 = arith.extui %lt3A_496 : i1 to i32
      %cond3A_498 = arith.constant 0 : i32
      %cond3A_499 = arith.cmpi ne, %convert_element_type3A_497, %cond3A_498 : i32
      scf.if %cond3A_499 {
        %add3A_630 = arith.constant 6 : i32
        %add3A_631 = arith.addi %add3A_492, %add3A_630 : i32
        %ge3A = arith.constant 8 : i32
        %ge3A_632 = arith.cmpi sge, %add3A_631, %ge3A : i32
        %convert_element_type3A_633 = arith.extui %ge3A_632 : i1 to i32
        %cond3A_634 = arith.constant 0 : i32
        %cond3A_635 = arith.cmpi ne, %convert_element_type3A_633, %cond3A_634 : i32
        scf.if %cond3A_635 {
          %dma_wait3A_652 = arith.constant 3 : i32
          %dma_wait3A_653 = arith.constant 3 : i32
          %dma_wait3A_654 = arith.constant 0 : i32
          %dma_wait3A_655 = arith.constant 0 : i32
          %dma_wait3A_656 = tpu.memref_slice %arg6[%dma_wait3A_652, %dma_wait3A_654, %dma_wait3A_655] : memref<8x50x128xf32, #tpu.memory_space<vmem>> -> memref<1x50x64xf32, #tpu.memory_space<vmem>>
          %dma_wait3A_657 = tpu.memref_squeeze %dma_wait3A_656 : memref<1x50x64xf32, #tpu.memory_space<vmem>> -> memref<50x64xf32, #tpu.memory_space<vmem>>
          %dma_wait3A_658 = arith.constant 0 : i32
          %dma_wait3A_659 = arith.constant 0 : i32
          %dma_wait3A_660 = tpu.memref_slice %arg4[%mul3A_2, %dma_wait3A_658, %dma_wait3A_659] : memref<4096x50x64xf32, #tpu.memory_space<hbm>> -> memref<1x50x64xf32, #tpu.memory_space<hbm>>
          %dma_wait3A_661 = tpu.memref_squeeze %dma_wait3A_660 : memref<1x50x64xf32, #tpu.memory_space<hbm>> -> memref<50x64xf32, #tpu.memory_space<hbm>>
          %dma_wait3A_662 = tpu.memref_slice %arg8[%dma_wait3A_653] : memref<8x!tpu.dma_semaphore, #tpu.memory_space<semaphore_mem>> -> memref<1x!tpu.dma_semaphore, #tpu.memory_space<semaphore_mem>>
          %dma_wait3A_663 = tpu.memref_squeeze %dma_wait3A_662 : memref<1x!tpu.dma_semaphore, #tpu.memory_space<semaphore_mem>> -> memref<!tpu.dma_semaphore, #tpu.memory_space<semaphore_mem>>
          %dma_wait3A_664 = arith.constant 0 : i32
          %dma_wait3A_665 = arith.constant 0 : i32
          %dma_wait3A_666 = tpu.memref_slice %arg4[%mul3A_2, %dma_wait3A_664, %dma_wait3A_665] : memref<4096x50x64xf32, #tpu.memory_space<hbm>> -> memref<1x50x64xf32, #tpu.memory_space<hbm>>
          %dma_wait3A_667 = tpu.memref_squeeze %dma_wait3A_666 : memref<1x50x64xf32, #tpu.memory_space<hbm>> -> memref<50x64xf32, #tpu.memory_space<hbm>>
          %dma_wait3A_668 = arith.constant 0 : i32
          %dma_wait3A_669 = arith.constant 0 : i32
          %dma_wait3A_670 = tpu.memref_slice %arg6[%dma_wait3A_652, %dma_wait3A_668, %dma_wait3A_669] : memref<8x50x128xf32, #tpu.memory_space<vmem>> -> memref<1x50x64xf32, #tpu.memory_space<vmem>>
          %dma_wait3A_671 = tpu.memref_squeeze %dma_wait3A_670 : memref<1x50x64xf32, #tpu.memory_space<vmem>> -> memref<50x64xf32, #tpu.memory_space<vmem>>
          tpu.wait_dma2 semaphore(%dma_wait3A_663 : memref<!tpu.dma_semaphore, #tpu.memory_space<semaphore_mem>>) src(%dma_wait3A_671 : memref<50x64xf32, #tpu.memory_space<vmem>>) dst(%dma_wait3A_667 : memref<50x64xf32, #tpu.memory_space<hbm>>)
        } else {
        }
        %add3A_636 = arith.constant 6 : i32
        %add3A_637 = arith.addi %add3A_492, %add3A_636 : i32
        %dma_start3A_638 = arith.constant 3 : i32
        %dma_start3A_639 = arith.constant 3 : i32
        %dma_start3A_640 = arith.constant 0 : i32
        %dma_start3A_641 = arith.constant 0 : i32
        %dma_start3A_642 = tpu.memref_slice %arg6[%dma_start3A_638, %dma_start3A_640, %dma_start3A_641] : memref<8x50x128xf32, #tpu.memory_space<vmem>> -> memref<1x50x128xf32, #tpu.memory_space<vmem>>
        %dma_start3A_643 = tpu.memref_squeeze %dma_start3A_642 : memref<1x50x128xf32, #tpu.memory_space<vmem>> -> memref<50x128xf32, #tpu.memory_space<vmem>>
        %dma_start3A_644 = arith.constant 0 : i32
        %dma_start3A_645 = tpu.memref_slice %arg5[%add3A_637, %dma_start3A_644] : memref<128x50xi32, #tpu.memory_space<vmem>> -> memref<1x50xi32, #tpu.memory_space<vmem>>
        %dma_start3A_646 = tpu.memref_squeeze %dma_start3A_645 : memref<1x50xi32, #tpu.memory_space<vmem>> -> memref<50xi32, #tpu.memory_space<vmem>>
        %dma_start3A_647 = arith.constant 0 : i32
        %dma_start3A_648 = arith.constant 0 : i32
        %dma_start3A_649 = tpu.memref_slice %arg3[%dma_start3A_647, %dma_start3A_648] : memref<1000000x128xf32, #tpu.memory_space<hbm>> -> memref<1000000x128xf32, #tpu.memory_space<hbm>>
        %dma_start3A_650 = tpu.memref_slice %arg7[%dma_start3A_639] : memref<8x!tpu.dma_semaphore, #tpu.memory_space<semaphore_mem>> -> memref<1x!tpu.dma_semaphore, #tpu.memory_space<semaphore_mem>>
        %dma_start3A_651 = tpu.memref_squeeze %dma_start3A_650 : memref<1x!tpu.dma_semaphore, #tpu.memory_space<semaphore_mem>> -> memref<!tpu.dma_semaphore, #tpu.memory_space<semaphore_mem>>
        tpu.enqueue_indirect_dma source(%dma_start3A_649 : memref<1000000x128xf32, #tpu.memory_space<hbm>>) target(%dma_start3A_643 : memref<50x128xf32, #tpu.memory_space<vmem>>) offsets(%dma_start3A_646 : memref<50xi32, #tpu.memory_space<vmem>>) semaphore(%dma_start3A_651 : memref<!tpu.dma_semaphore, #tpu.memory_space<semaphore_mem>>)
      } else {
      }
      %dma_wait3A_500 = arith.constant 0 : i32
      %dma_wait3A_501 = arith.constant 5 : i32
      %dma_wait3A_502 = arith.constant 5 : i32
      %dma_wait3A_503 = arith.constant 0 : i32
      %dma_wait3A_504 = arith.constant 0 : i32
      %dma_wait3A_505 = tpu.memref_slice %arg6[%dma_wait3A_501, %dma_wait3A_503, %dma_wait3A_504] : memref<8x50x128xf32, #tpu.memory_space<vmem>> -> memref<1x50x128xf32, #tpu.memory_space<vmem>>
      %dma_wait3A_506 = tpu.memref_squeeze %dma_wait3A_505 : memref<1x50x128xf32, #tpu.memory_space<vmem>> -> memref<50x128xf32, #tpu.memory_space<vmem>>
      %dma_wait3A_507 = arith.constant 0 : i32
      %dma_wait3A_508 = tpu.memref_slice %arg5[%dma_wait3A_500, %dma_wait3A_507] : memref<128x50xi32, #tpu.memory_space<vmem>> -> memref<1x50xi32, #tpu.memory_space<vmem>>
      %dma_wait3A_509 = tpu.memref_squeeze %dma_wait3A_508 : memref<1x50xi32, #tpu.memory_space<vmem>> -> memref<50xi32, #tpu.memory_space<vmem>>
      %dma_wait3A_510 = arith.constant 0 : i32
      %dma_wait3A_511 = arith.constant 0 : i32
      %dma_wait3A_512 = tpu.memref_slice %arg3[%dma_wait3A_510, %dma_wait3A_511] : memref<1000000x128xf32, #tpu.memory_space<hbm>> -> memref<1000000x128xf32, #tpu.memory_space<hbm>>
      %dma_wait3A_513 = tpu.memref_slice %arg7[%dma_wait3A_502] : memref<8x!tpu.dma_semaphore, #tpu.memory_space<semaphore_mem>> -> memref<1x!tpu.dma_semaphore, #tpu.memory_space<semaphore_mem>>
      %dma_wait3A_514 = tpu.memref_squeeze %dma_wait3A_513 : memref<1x!tpu.dma_semaphore, #tpu.memory_space<semaphore_mem>> -> memref<!tpu.dma_semaphore, #tpu.memory_space<semaphore_mem>>
      tpu.wait_indirect_dma semaphore(%dma_wait3A_514 : memref<!tpu.dma_semaphore, #tpu.memory_space<semaphore_mem>>) src(%dma_wait3A_512 : memref<1000000x128xf32, #tpu.memory_space<hbm>>) dst(%dma_wait3A_506 : memref<50x128xf32, #tpu.memory_space<vmem>>)
      %add3A_515 = arith.addi %mul3A_2, %add3A_492 : i32
      %dma_start3A_516 = arith.constant 5 : i32
      %dma_start3A_517 = arith.constant 5 : i32
      %dma_start3A_518 = arith.constant 0 : i32
      %dma_start3A_519 = arith.constant 0 : i32
      %dma_start3A_520 = tpu.memref_slice %arg6[%dma_start3A_516, %dma_start3A_518, %dma_start3A_519] : memref<8x50x128xf32, #tpu.memory_space<vmem>> -> memref<1x50x64xf32, #tpu.memory_space<vmem>>
      %dma_start3A_521 = tpu.memref_squeeze %dma_start3A_520 : memref<1x50x64xf32, #tpu.memory_space<vmem>> -> memref<50x64xf32, #tpu.memory_space<vmem>>
      %dma_start3A_522 = arith.constant 0 : i32
      %dma_start3A_523 = arith.constant 0 : i32
      %dma_start3A_524 = tpu.memref_slice %arg4[%add3A_515, %dma_start3A_522, %dma_start3A_523] : memref<4096x50x64xf32, #tpu.memory_space<hbm>> -> memref<1x50x64xf32, #tpu.memory_space<hbm>>
      %dma_start3A_525 = tpu.memref_squeeze %dma_start3A_524 : memref<1x50x64xf32, #tpu.memory_space<hbm>> -> memref<50x64xf32, #tpu.memory_space<hbm>>
      %dma_start3A_526 = tpu.memref_slice %arg8[%dma_start3A_517] : memref<8x!tpu.dma_semaphore, #tpu.memory_space<semaphore_mem>> -> memref<1x!tpu.dma_semaphore, #tpu.memory_space<semaphore_mem>>
      %dma_start3A_527 = tpu.memref_squeeze %dma_start3A_526 : memref<1x!tpu.dma_semaphore, #tpu.memory_space<semaphore_mem>> -> memref<!tpu.dma_semaphore, #tpu.memory_space<semaphore_mem>>
      %dma_start3A_528 = arith.constant 0 : i32
      %dma_start3A_529 = arith.constant 0 : i32
      %dma_start3A_530 = tpu.memref_slice %arg4[%add3A_515, %dma_start3A_528, %dma_start3A_529] : memref<4096x50x64xf32, #tpu.memory_space<hbm>> -> memref<1x50x64xf32, #tpu.memory_space<hbm>>
      %dma_start3A_531 = tpu.memref_squeeze %dma_start3A_530 : memref<1x50x64xf32, #tpu.memory_space<hbm>> -> memref<50x64xf32, #tpu.memory_space<hbm>>
      %dma_start3A_532 = arith.constant 0 : i32
      %dma_start3A_533 = arith.constant 0 : i32
      %dma_start3A_534 = tpu.memref_slice %arg6[%dma_start3A_516, %dma_start3A_532, %dma_start3A_533] : memref<8x50x128xf32, #tpu.memory_space<vmem>> -> memref<1x50x64xf32, #tpu.memory_space<vmem>>
      %dma_start3A_535 = tpu.memref_squeeze %dma_start3A_534 : memref<1x50x64xf32, #tpu.memory_space<vmem>> -> memref<50x64xf32, #tpu.memory_space<vmem>>
      tpu.enqueue_dma source(%dma_start3A_535 : memref<50x64xf32, #tpu.memory_space<vmem>>) target(%dma_start3A_531 : memref<50x64xf32, #tpu.memory_space<hbm>>) target_semaphore(%dma_start3A_527 : memref<!tpu.dma_semaphore, #tpu.memory_space<semaphore_mem>>)
      %mul3A_536 = arith.constant 8 : i32
      %mul3A_537 = arith.muli %scan3A_256, %mul3A_536 : i32
      %add3A_538 = arith.constant 6 : i32
      %add3A_539 = arith.addi %mul3A_537, %add3A_538 : i32
      %add3A_540 = arith.constant 6 : i32
      %add3A_541 = arith.addi %add3A_539, %add3A_540 : i32
      %lt3A_542 = arith.constant 128 : i32
      %lt3A_543 = arith.cmpi slt, %add3A_541, %lt3A_542 : i32
      %convert_element_type3A_544 = arith.extui %lt3A_543 : i1 to i32
      %cond3A_545 = arith.constant 0 : i32
      %cond3A_546 = arith.cmpi ne, %convert_element_type3A_544, %cond3A_545 : i32
      scf.if %cond3A_546 {
        %add3A_630 = arith.constant 6 : i32
        %add3A_631 = arith.addi %add3A_539, %add3A_630 : i32
        %ge3A = arith.constant 8 : i32
        %ge3A_632 = arith.cmpi sge, %add3A_631, %ge3A : i32
        %convert_element_type3A_633 = arith.extui %ge3A_632 : i1 to i32
        %cond3A_634 = arith.constant 0 : i32
        %cond3A_635 = arith.cmpi ne, %convert_element_type3A_633, %cond3A_634 : i32
        scf.if %cond3A_635 {
          %dma_wait3A_652 = arith.constant 4 : i32
          %dma_wait3A_653 = arith.constant 4 : i32
          %dma_wait3A_654 = arith.constant 0 : i32
          %dma_wait3A_655 = arith.constant 0 : i32
          %dma_wait3A_656 = tpu.memref_slice %arg6[%dma_wait3A_652, %dma_wait3A_654, %dma_wait3A_655] : memref<8x50x128xf32, #tpu.memory_space<vmem>> -> memref<1x50x64xf32, #tpu.memory_space<vmem>>
          %dma_wait3A_657 = tpu.memref_squeeze %dma_wait3A_656 : memref<1x50x64xf32, #tpu.memory_space<vmem>> -> memref<50x64xf32, #tpu.memory_space<vmem>>
          %dma_wait3A_658 = arith.constant 0 : i32
          %dma_wait3A_659 = arith.constant 0 : i32
          %dma_wait3A_660 = tpu.memref_slice %arg4[%mul3A_2, %dma_wait3A_658, %dma_wait3A_659] : memref<4096x50x64xf32, #tpu.memory_space<hbm>> -> memref<1x50x64xf32, #tpu.memory_space<hbm>>
          %dma_wait3A_661 = tpu.memref_squeeze %dma_wait3A_660 : memref<1x50x64xf32, #tpu.memory_space<hbm>> -> memref<50x64xf32, #tpu.memory_space<hbm>>
          %dma_wait3A_662 = tpu.memref_slice %arg8[%dma_wait3A_653] : memref<8x!tpu.dma_semaphore, #tpu.memory_space<semaphore_mem>> -> memref<1x!tpu.dma_semaphore, #tpu.memory_space<semaphore_mem>>
          %dma_wait3A_663 = tpu.memref_squeeze %dma_wait3A_662 : memref<1x!tpu.dma_semaphore, #tpu.memory_space<semaphore_mem>> -> memref<!tpu.dma_semaphore, #tpu.memory_space<semaphore_mem>>
          %dma_wait3A_664 = arith.constant 0 : i32
          %dma_wait3A_665 = arith.constant 0 : i32
          %dma_wait3A_666 = tpu.memref_slice %arg4[%mul3A_2, %dma_wait3A_664, %dma_wait3A_665] : memref<4096x50x64xf32, #tpu.memory_space<hbm>> -> memref<1x50x64xf32, #tpu.memory_space<hbm>>
          %dma_wait3A_667 = tpu.memref_squeeze %dma_wait3A_666 : memref<1x50x64xf32, #tpu.memory_space<hbm>> -> memref<50x64xf32, #tpu.memory_space<hbm>>
          %dma_wait3A_668 = arith.constant 0 : i32
          %dma_wait3A_669 = arith.constant 0 : i32
          %dma_wait3A_670 = tpu.memref_slice %arg6[%dma_wait3A_652, %dma_wait3A_668, %dma_wait3A_669] : memref<8x50x128xf32, #tpu.memory_space<vmem>> -> memref<1x50x64xf32, #tpu.memory_space<vmem>>
          %dma_wait3A_671 = tpu.memref_squeeze %dma_wait3A_670 : memref<1x50x64xf32, #tpu.memory_space<vmem>> -> memref<50x64xf32, #tpu.memory_space<vmem>>
          tpu.wait_dma2 semaphore(%dma_wait3A_663 : memref<!tpu.dma_semaphore, #tpu.memory_space<semaphore_mem>>) src(%dma_wait3A_671 : memref<50x64xf32, #tpu.memory_space<vmem>>) dst(%dma_wait3A_667 : memref<50x64xf32, #tpu.memory_space<hbm>>)
        } else {
        }
        %add3A_636 = arith.constant 6 : i32
        %add3A_637 = arith.addi %add3A_539, %add3A_636 : i32
        %dma_start3A_638 = arith.constant 4 : i32
        %dma_start3A_639 = arith.constant 4 : i32
        %dma_start3A_640 = arith.constant 0 : i32
        %dma_start3A_641 = arith.constant 0 : i32
        %dma_start3A_642 = tpu.memref_slice %arg6[%dma_start3A_638, %dma_start3A_640, %dma_start3A_641] : memref<8x50x128xf32, #tpu.memory_space<vmem>> -> memref<1x50x128xf32, #tpu.memory_space<vmem>>
        %dma_start3A_643 = tpu.memref_squeeze %dma_start3A_642 : memref<1x50x128xf32, #tpu.memory_space<vmem>> -> memref<50x128xf32, #tpu.memory_space<vmem>>
        %dma_start3A_644 = arith.constant 0 : i32
        %dma_start3A_645 = tpu.memref_slice %arg5[%add3A_637, %dma_start3A_644] : memref<128x50xi32, #tpu.memory_space<vmem>> -> memref<1x50xi32, #tpu.memory_space<vmem>>
        %dma_start3A_646 = tpu.memref_squeeze %dma_start3A_645 : memref<1x50xi32, #tpu.memory_space<vmem>> -> memref<50xi32, #tpu.memory_space<vmem>>
        %dma_start3A_647 = arith.constant 0 : i32
        %dma_start3A_648 = arith.constant 0 : i32
        %dma_start3A_649 = tpu.memref_slice %arg3[%dma_start3A_647, %dma_start3A_648] : memref<1000000x128xf32, #tpu.memory_space<hbm>> -> memref<1000000x128xf32, #tpu.memory_space<hbm>>
        %dma_start3A_650 = tpu.memref_slice %arg7[%dma_start3A_639] : memref<8x!tpu.dma_semaphore, #tpu.memory_space<semaphore_mem>> -> memref<1x!tpu.dma_semaphore, #tpu.memory_space<semaphore_mem>>
        %dma_start3A_651 = tpu.memref_squeeze %dma_start3A_650 : memref<1x!tpu.dma_semaphore, #tpu.memory_space<semaphore_mem>> -> memref<!tpu.dma_semaphore, #tpu.memory_space<semaphore_mem>>
        tpu.enqueue_indirect_dma source(%dma_start3A_649 : memref<1000000x128xf32, #tpu.memory_space<hbm>>) target(%dma_start3A_643 : memref<50x128xf32, #tpu.memory_space<vmem>>) offsets(%dma_start3A_646 : memref<50xi32, #tpu.memory_space<vmem>>) semaphore(%dma_start3A_651 : memref<!tpu.dma_semaphore, #tpu.memory_space<semaphore_mem>>)
      } else {
      }
      %dma_wait3A_547 = arith.constant 0 : i32
      %dma_wait3A_548 = arith.constant 6 : i32
      %dma_wait3A_549 = arith.constant 6 : i32
      %dma_wait3A_550 = arith.constant 0 : i32
      %dma_wait3A_551 = arith.constant 0 : i32
      %dma_wait3A_552 = tpu.memref_slice %arg6[%dma_wait3A_548, %dma_wait3A_550, %dma_wait3A_551] : memref<8x50x128xf32, #tpu.memory_space<vmem>> -> memref<1x50x128xf32, #tpu.memory_space<vmem>>
      %dma_wait3A_553 = tpu.memref_squeeze %dma_wait3A_552 : memref<1x50x128xf32, #tpu.memory_space<vmem>> -> memref<50x128xf32, #tpu.memory_space<vmem>>
      %dma_wait3A_554 = arith.constant 0 : i32
      %dma_wait3A_555 = tpu.memref_slice %arg5[%dma_wait3A_547, %dma_wait3A_554] : memref<128x50xi32, #tpu.memory_space<vmem>> -> memref<1x50xi32, #tpu.memory_space<vmem>>
      %dma_wait3A_556 = tpu.memref_squeeze %dma_wait3A_555 : memref<1x50xi32, #tpu.memory_space<vmem>> -> memref<50xi32, #tpu.memory_space<vmem>>
      %dma_wait3A_557 = arith.constant 0 : i32
      %dma_wait3A_558 = arith.constant 0 : i32
      %dma_wait3A_559 = tpu.memref_slice %arg3[%dma_wait3A_557, %dma_wait3A_558] : memref<1000000x128xf32, #tpu.memory_space<hbm>> -> memref<1000000x128xf32, #tpu.memory_space<hbm>>
      %dma_wait3A_560 = tpu.memref_slice %arg7[%dma_wait3A_549] : memref<8x!tpu.dma_semaphore, #tpu.memory_space<semaphore_mem>> -> memref<1x!tpu.dma_semaphore, #tpu.memory_space<semaphore_mem>>
      %dma_wait3A_561 = tpu.memref_squeeze %dma_wait3A_560 : memref<1x!tpu.dma_semaphore, #tpu.memory_space<semaphore_mem>> -> memref<!tpu.dma_semaphore, #tpu.memory_space<semaphore_mem>>
      tpu.wait_indirect_dma semaphore(%dma_wait3A_561 : memref<!tpu.dma_semaphore, #tpu.memory_space<semaphore_mem>>) src(%dma_wait3A_559 : memref<1000000x128xf32, #tpu.memory_space<hbm>>) dst(%dma_wait3A_553 : memref<50x128xf32, #tpu.memory_space<vmem>>)
      %add3A_562 = arith.addi %mul3A_2, %add3A_539 : i32
      %dma_start3A_563 = arith.constant 6 : i32
      %dma_start3A_564 = arith.constant 6 : i32
      %dma_start3A_565 = arith.constant 0 : i32
      %dma_start3A_566 = arith.constant 0 : i32
      %dma_start3A_567 = tpu.memref_slice %arg6[%dma_start3A_563, %dma_start3A_565, %dma_start3A_566] : memref<8x50x128xf32, #tpu.memory_space<vmem>> -> memref<1x50x64xf32, #tpu.memory_space<vmem>>
      %dma_start3A_568 = tpu.memref_squeeze %dma_start3A_567 : memref<1x50x64xf32, #tpu.memory_space<vmem>> -> memref<50x64xf32, #tpu.memory_space<vmem>>
      %dma_start3A_569 = arith.constant 0 : i32
      %dma_start3A_570 = arith.constant 0 : i32
      %dma_start3A_571 = tpu.memref_slice %arg4[%add3A_562, %dma_start3A_569, %dma_start3A_570] : memref<4096x50x64xf32, #tpu.memory_space<hbm>> -> memref<1x50x64xf32, #tpu.memory_space<hbm>>
      %dma_start3A_572 = tpu.memref_squeeze %dma_start3A_571 : memref<1x50x64xf32, #tpu.memory_space<hbm>> -> memref<50x64xf32, #tpu.memory_space<hbm>>
      %dma_start3A_573 = tpu.memref_slice %arg8[%dma_start3A_564] : memref<8x!tpu.dma_semaphore, #tpu.memory_space<semaphore_mem>> -> memref<1x!tpu.dma_semaphore, #tpu.memory_space<semaphore_mem>>
      %dma_start3A_574 = tpu.memref_squeeze %dma_start3A_573 : memref<1x!tpu.dma_semaphore, #tpu.memory_space<semaphore_mem>> -> memref<!tpu.dma_semaphore, #tpu.memory_space<semaphore_mem>>
      %dma_start3A_575 = arith.constant 0 : i32
      %dma_start3A_576 = arith.constant 0 : i32
      %dma_start3A_577 = tpu.memref_slice %arg4[%add3A_562, %dma_start3A_575, %dma_start3A_576] : memref<4096x50x64xf32, #tpu.memory_space<hbm>> -> memref<1x50x64xf32, #tpu.memory_space<hbm>>
      %dma_start3A_578 = tpu.memref_squeeze %dma_start3A_577 : memref<1x50x64xf32, #tpu.memory_space<hbm>> -> memref<50x64xf32, #tpu.memory_space<hbm>>
      %dma_start3A_579 = arith.constant 0 : i32
      %dma_start3A_580 = arith.constant 0 : i32
      %dma_start3A_581 = tpu.memref_slice %arg6[%dma_start3A_563, %dma_start3A_579, %dma_start3A_580] : memref<8x50x128xf32, #tpu.memory_space<vmem>> -> memref<1x50x64xf32, #tpu.memory_space<vmem>>
      %dma_start3A_582 = tpu.memref_squeeze %dma_start3A_581 : memref<1x50x64xf32, #tpu.memory_space<vmem>> -> memref<50x64xf32, #tpu.memory_space<vmem>>
      tpu.enqueue_dma source(%dma_start3A_582 : memref<50x64xf32, #tpu.memory_space<vmem>>) target(%dma_start3A_578 : memref<50x64xf32, #tpu.memory_space<hbm>>) target_semaphore(%dma_start3A_574 : memref<!tpu.dma_semaphore, #tpu.memory_space<semaphore_mem>>)
      %mul3A_583 = arith.constant 8 : i32
      %mul3A_584 = arith.muli %scan3A_256, %mul3A_583 : i32
      %add3A_585 = arith.constant 7 : i32
      %add3A_586 = arith.addi %mul3A_584, %add3A_585 : i32
      %add3A_587 = arith.constant 6 : i32
      %add3A_588 = arith.addi %add3A_586, %add3A_587 : i32
      %lt3A_589 = arith.constant 128 : i32
      %lt3A_590 = arith.cmpi slt, %add3A_588, %lt3A_589 : i32
      %convert_element_type3A_591 = arith.extui %lt3A_590 : i1 to i32
      %cond3A_592 = arith.constant 0 : i32
      %cond3A_593 = arith.cmpi ne, %convert_element_type3A_591, %cond3A_592 : i32
      scf.if %cond3A_593 {
        %add3A_630 = arith.constant 6 : i32
        %add3A_631 = arith.addi %add3A_586, %add3A_630 : i32
        %ge3A = arith.constant 8 : i32
        %ge3A_632 = arith.cmpi sge, %add3A_631, %ge3A : i32
        %convert_element_type3A_633 = arith.extui %ge3A_632 : i1 to i32
        %cond3A_634 = arith.constant 0 : i32
        %cond3A_635 = arith.cmpi ne, %convert_element_type3A_633, %cond3A_634 : i32
        scf.if %cond3A_635 {
          %dma_wait3A_652 = arith.constant 5 : i32
          %dma_wait3A_653 = arith.constant 5 : i32
          %dma_wait3A_654 = arith.constant 0 : i32
          %dma_wait3A_655 = arith.constant 0 : i32
          %dma_wait3A_656 = tpu.memref_slice %arg6[%dma_wait3A_652, %dma_wait3A_654, %dma_wait3A_655] : memref<8x50x128xf32, #tpu.memory_space<vmem>> -> memref<1x50x64xf32, #tpu.memory_space<vmem>>
          %dma_wait3A_657 = tpu.memref_squeeze %dma_wait3A_656 : memref<1x50x64xf32, #tpu.memory_space<vmem>> -> memref<50x64xf32, #tpu.memory_space<vmem>>
          %dma_wait3A_658 = arith.constant 0 : i32
          %dma_wait3A_659 = arith.constant 0 : i32
          %dma_wait3A_660 = tpu.memref_slice %arg4[%mul3A_2, %dma_wait3A_658, %dma_wait3A_659] : memref<4096x50x64xf32, #tpu.memory_space<hbm>> -> memref<1x50x64xf32, #tpu.memory_space<hbm>>
          %dma_wait3A_661 = tpu.memref_squeeze %dma_wait3A_660 : memref<1x50x64xf32, #tpu.memory_space<hbm>> -> memref<50x64xf32, #tpu.memory_space<hbm>>
          %dma_wait3A_662 = tpu.memref_slice %arg8[%dma_wait3A_653] : memref<8x!tpu.dma_semaphore, #tpu.memory_space<semaphore_mem>> -> memref<1x!tpu.dma_semaphore, #tpu.memory_space<semaphore_mem>>
          %dma_wait3A_663 = tpu.memref_squeeze %dma_wait3A_662 : memref<1x!tpu.dma_semaphore, #tpu.memory_space<semaphore_mem>> -> memref<!tpu.dma_semaphore, #tpu.memory_space<semaphore_mem>>
          %dma_wait3A_664 = arith.constant 0 : i32
          %dma_wait3A_665 = arith.constant 0 : i32
          %dma_wait3A_666 = tpu.memref_slice %arg4[%mul3A_2, %dma_wait3A_664, %dma_wait3A_665] : memref<4096x50x64xf32, #tpu.memory_space<hbm>> -> memref<1x50x64xf32, #tpu.memory_space<hbm>>
          %dma_wait3A_667 = tpu.memref_squeeze %dma_wait3A_666 : memref<1x50x64xf32, #tpu.memory_space<hbm>> -> memref<50x64xf32, #tpu.memory_space<hbm>>
          %dma_wait3A_668 = arith.constant 0 : i32
          %dma_wait3A_669 = arith.constant 0 : i32
          %dma_wait3A_670 = tpu.memref_slice %arg6[%dma_wait3A_652, %dma_wait3A_668, %dma_wait3A_669] : memref<8x50x128xf32, #tpu.memory_space<vmem>> -> memref<1x50x64xf32, #tpu.memory_space<vmem>>
          %dma_wait3A_671 = tpu.memref_squeeze %dma_wait3A_670 : memref<1x50x64xf32, #tpu.memory_space<vmem>> -> memref<50x64xf32, #tpu.memory_space<vmem>>
          tpu.wait_dma2 semaphore(%dma_wait3A_663 : memref<!tpu.dma_semaphore, #tpu.memory_space<semaphore_mem>>) src(%dma_wait3A_671 : memref<50x64xf32, #tpu.memory_space<vmem>>) dst(%dma_wait3A_667 : memref<50x64xf32, #tpu.memory_space<hbm>>)
        } else {
        }
        %add3A_636 = arith.constant 6 : i32
        %add3A_637 = arith.addi %add3A_586, %add3A_636 : i32
        %dma_start3A_638 = arith.constant 5 : i32
        %dma_start3A_639 = arith.constant 5 : i32
        %dma_start3A_640 = arith.constant 0 : i32
        %dma_start3A_641 = arith.constant 0 : i32
        %dma_start3A_642 = tpu.memref_slice %arg6[%dma_start3A_638, %dma_start3A_640, %dma_start3A_641] : memref<8x50x128xf32, #tpu.memory_space<vmem>> -> memref<1x50x128xf32, #tpu.memory_space<vmem>>
        %dma_start3A_643 = tpu.memref_squeeze %dma_start3A_642 : memref<1x50x128xf32, #tpu.memory_space<vmem>> -> memref<50x128xf32, #tpu.memory_space<vmem>>
        %dma_start3A_644 = arith.constant 0 : i32
        %dma_start3A_645 = tpu.memref_slice %arg5[%add3A_637, %dma_start3A_644] : memref<128x50xi32, #tpu.memory_space<vmem>> -> memref<1x50xi32, #tpu.memory_space<vmem>>
        %dma_start3A_646 = tpu.memref_squeeze %dma_start3A_645 : memref<1x50xi32, #tpu.memory_space<vmem>> -> memref<50xi32, #tpu.memory_space<vmem>>
        %dma_start3A_647 = arith.constant 0 : i32
        %dma_start3A_648 = arith.constant 0 : i32
        %dma_start3A_649 = tpu.memref_slice %arg3[%dma_start3A_647, %dma_start3A_648] : memref<1000000x128xf32, #tpu.memory_space<hbm>> -> memref<1000000x128xf32, #tpu.memory_space<hbm>>
        %dma_start3A_650 = tpu.memref_slice %arg7[%dma_start3A_639] : memref<8x!tpu.dma_semaphore, #tpu.memory_space<semaphore_mem>> -> memref<1x!tpu.dma_semaphore, #tpu.memory_space<semaphore_mem>>
        %dma_start3A_651 = tpu.memref_squeeze %dma_start3A_650 : memref<1x!tpu.dma_semaphore, #tpu.memory_space<semaphore_mem>> -> memref<!tpu.dma_semaphore, #tpu.memory_space<semaphore_mem>>
        tpu.enqueue_indirect_dma source(%dma_start3A_649 : memref<1000000x128xf32, #tpu.memory_space<hbm>>) target(%dma_start3A_643 : memref<50x128xf32, #tpu.memory_space<vmem>>) offsets(%dma_start3A_646 : memref<50xi32, #tpu.memory_space<vmem>>) semaphore(%dma_start3A_651 : memref<!tpu.dma_semaphore, #tpu.memory_space<semaphore_mem>>)
      } else {
      }
      %dma_wait3A_594 = arith.constant 0 : i32
      %dma_wait3A_595 = arith.constant 7 : i32
      %dma_wait3A_596 = arith.constant 7 : i32
      %dma_wait3A_597 = arith.constant 0 : i32
      %dma_wait3A_598 = arith.constant 0 : i32
      %dma_wait3A_599 = tpu.memref_slice %arg6[%dma_wait3A_595, %dma_wait3A_597, %dma_wait3A_598] : memref<8x50x128xf32, #tpu.memory_space<vmem>> -> memref<1x50x128xf32, #tpu.memory_space<vmem>>
      %dma_wait3A_600 = tpu.memref_squeeze %dma_wait3A_599 : memref<1x50x128xf32, #tpu.memory_space<vmem>> -> memref<50x128xf32, #tpu.memory_space<vmem>>
      %dma_wait3A_601 = arith.constant 0 : i32
      %dma_wait3A_602 = tpu.memref_slice %arg5[%dma_wait3A_594, %dma_wait3A_601] : memref<128x50xi32, #tpu.memory_space<vmem>> -> memref<1x50xi32, #tpu.memory_space<vmem>>
      %dma_wait3A_603 = tpu.memref_squeeze %dma_wait3A_602 : memref<1x50xi32, #tpu.memory_space<vmem>> -> memref<50xi32, #tpu.memory_space<vmem>>
      %dma_wait3A_604 = arith.constant 0 : i32
      %dma_wait3A_605 = arith.constant 0 : i32
      %dma_wait3A_606 = tpu.memref_slice %arg3[%dma_wait3A_604, %dma_wait3A_605] : memref<1000000x128xf32, #tpu.memory_space<hbm>> -> memref<1000000x128xf32, #tpu.memory_space<hbm>>
      %dma_wait3A_607 = tpu.memref_slice %arg7[%dma_wait3A_596] : memref<8x!tpu.dma_semaphore, #tpu.memory_space<semaphore_mem>> -> memref<1x!tpu.dma_semaphore, #tpu.memory_space<semaphore_mem>>
      %dma_wait3A_608 = tpu.memref_squeeze %dma_wait3A_607 : memref<1x!tpu.dma_semaphore, #tpu.memory_space<semaphore_mem>> -> memref<!tpu.dma_semaphore, #tpu.memory_space<semaphore_mem>>
      tpu.wait_indirect_dma semaphore(%dma_wait3A_608 : memref<!tpu.dma_semaphore, #tpu.memory_space<semaphore_mem>>) src(%dma_wait3A_606 : memref<1000000x128xf32, #tpu.memory_space<hbm>>) dst(%dma_wait3A_600 : memref<50x128xf32, #tpu.memory_space<vmem>>)
      %add3A_609 = arith.addi %mul3A_2, %add3A_586 : i32
      %dma_start3A_610 = arith.constant 7 : i32
      %dma_start3A_611 = arith.constant 7 : i32
      %dma_start3A_612 = arith.constant 0 : i32
      %dma_start3A_613 = arith.constant 0 : i32
      %dma_start3A_614 = tpu.memref_slice %arg6[%dma_start3A_610, %dma_start3A_612, %dma_start3A_613] : memref<8x50x128xf32, #tpu.memory_space<vmem>> -> memref<1x50x64xf32, #tpu.memory_space<vmem>>
      %dma_start3A_615 = tpu.memref_squeeze %dma_start3A_614 : memref<1x50x64xf32, #tpu.memory_space<vmem>> -> memref<50x64xf32, #tpu.memory_space<vmem>>
      %dma_start3A_616 = arith.constant 0 : i32
      %dma_start3A_617 = arith.constant 0 : i32
      %dma_start3A_618 = tpu.memref_slice %arg4[%add3A_609, %dma_start3A_616, %dma_start3A_617] : memref<4096x50x64xf32, #tpu.memory_space<hbm>> -> memref<1x50x64xf32, #tpu.memory_space<hbm>>
      %dma_start3A_619 = tpu.memref_squeeze %dma_start3A_618 : memref<1x50x64xf32, #tpu.memory_space<hbm>> -> memref<50x64xf32, #tpu.memory_space<hbm>>
      %dma_start3A_620 = tpu.memref_slice %arg8[%dma_start3A_611] : memref<8x!tpu.dma_semaphore, #tpu.memory_space<semaphore_mem>> -> memref<1x!tpu.dma_semaphore, #tpu.memory_space<semaphore_mem>>
      %dma_start3A_621 = tpu.memref_squeeze %dma_start3A_620 : memref<1x!tpu.dma_semaphore, #tpu.memory_space<semaphore_mem>> -> memref<!tpu.dma_semaphore, #tpu.memory_space<semaphore_mem>>
      %dma_start3A_622 = arith.constant 0 : i32
      %dma_start3A_623 = arith.constant 0 : i32
      %dma_start3A_624 = tpu.memref_slice %arg4[%add3A_609, %dma_start3A_622, %dma_start3A_623] : memref<4096x50x64xf32, #tpu.memory_space<hbm>> -> memref<1x50x64xf32, #tpu.memory_space<hbm>>
      %dma_start3A_625 = tpu.memref_squeeze %dma_start3A_624 : memref<1x50x64xf32, #tpu.memory_space<hbm>> -> memref<50x64xf32, #tpu.memory_space<hbm>>
      %dma_start3A_626 = arith.constant 0 : i32
      %dma_start3A_627 = arith.constant 0 : i32
      %dma_start3A_628 = tpu.memref_slice %arg6[%dma_start3A_610, %dma_start3A_626, %dma_start3A_627] : memref<8x50x128xf32, #tpu.memory_space<vmem>> -> memref<1x50x64xf32, #tpu.memory_space<vmem>>
      %dma_start3A_629 = tpu.memref_squeeze %dma_start3A_628 : memref<1x50x64xf32, #tpu.memory_space<vmem>> -> memref<50x64xf32, #tpu.memory_space<vmem>>
      tpu.enqueue_dma source(%dma_start3A_629 : memref<50x64xf32, #tpu.memory_space<vmem>>) target(%dma_start3A_625 : memref<50x64xf32, #tpu.memory_space<hbm>>) target_semaphore(%dma_start3A_621 : memref<!tpu.dma_semaphore, #tpu.memory_space<semaphore_mem>>)
    }
    %scan3A_96 = arith.constant 16 : i32
    %dma_wait3A = arith.constant 0 : i32
    %dma_wait3A_97 = arith.constant 0 : i32
    %dma_wait3A_98 = arith.constant 0 : i32
    %dma_wait3A_99 = arith.constant 0 : i32
    %dma_wait3A_100 = tpu.memref_slice %arg6[%dma_wait3A, %dma_wait3A_98, %dma_wait3A_99] : memref<8x50x128xf32, #tpu.memory_space<vmem>> -> memref<1x50x64xf32, #tpu.memory_space<vmem>>
    %dma_wait3A_101 = tpu.memref_squeeze %dma_wait3A_100 : memref<1x50x64xf32, #tpu.memory_space<vmem>> -> memref<50x64xf32, #tpu.memory_space<vmem>>
    %dma_wait3A_102 = arith.constant 0 : i32
    %dma_wait3A_103 = arith.constant 0 : i32
    %dma_wait3A_104 = tpu.memref_slice %arg4[%mul3A_2, %dma_wait3A_102, %dma_wait3A_103] : memref<4096x50x64xf32, #tpu.memory_space<hbm>> -> memref<1x50x64xf32, #tpu.memory_space<hbm>>
    %dma_wait3A_105 = tpu.memref_squeeze %dma_wait3A_104 : memref<1x50x64xf32, #tpu.memory_space<hbm>> -> memref<50x64xf32, #tpu.memory_space<hbm>>
    %dma_wait3A_106 = tpu.memref_slice %arg8[%dma_wait3A_97] : memref<8x!tpu.dma_semaphore, #tpu.memory_space<semaphore_mem>> -> memref<1x!tpu.dma_semaphore, #tpu.memory_space<semaphore_mem>>
    %dma_wait3A_107 = tpu.memref_squeeze %dma_wait3A_106 : memref<1x!tpu.dma_semaphore, #tpu.memory_space<semaphore_mem>> -> memref<!tpu.dma_semaphore, #tpu.memory_space<semaphore_mem>>
    %dma_wait3A_108 = arith.constant 0 : i32
    %dma_wait3A_109 = arith.constant 0 : i32
    %dma_wait3A_110 = tpu.memref_slice %arg4[%mul3A_2, %dma_wait3A_108, %dma_wait3A_109] : memref<4096x50x64xf32, #tpu.memory_space<hbm>> -> memref<1x50x64xf32, #tpu.memory_space<hbm>>
    %dma_wait3A_111 = tpu.memref_squeeze %dma_wait3A_110 : memref<1x50x64xf32, #tpu.memory_space<hbm>> -> memref<50x64xf32, #tpu.memory_space<hbm>>
    %dma_wait3A_112 = arith.constant 0 : i32
    %dma_wait3A_113 = arith.constant 0 : i32
    %dma_wait3A_114 = tpu.memref_slice %arg6[%dma_wait3A, %dma_wait3A_112, %dma_wait3A_113] : memref<8x50x128xf32, #tpu.memory_space<vmem>> -> memref<1x50x64xf32, #tpu.memory_space<vmem>>
    %dma_wait3A_115 = tpu.memref_squeeze %dma_wait3A_114 : memref<1x50x64xf32, #tpu.memory_space<vmem>> -> memref<50x64xf32, #tpu.memory_space<vmem>>
    tpu.wait_dma2 semaphore(%dma_wait3A_107 : memref<!tpu.dma_semaphore, #tpu.memory_space<semaphore_mem>>) src(%dma_wait3A_115 : memref<50x64xf32, #tpu.memory_space<vmem>>) dst(%dma_wait3A_111 : memref<50x64xf32, #tpu.memory_space<hbm>>)
    %dma_wait3A_116 = arith.constant 1 : i32
    %dma_wait3A_117 = arith.constant 1 : i32
    %dma_wait3A_118 = arith.constant 0 : i32
    %dma_wait3A_119 = arith.constant 0 : i32
    %dma_wait3A_120 = tpu.memref_slice %arg6[%dma_wait3A_116, %dma_wait3A_118, %dma_wait3A_119] : memref<8x50x128xf32, #tpu.memory_space<vmem>> -> memref<1x50x64xf32, #tpu.memory_space<vmem>>
    %dma_wait3A_121 = tpu.memref_squeeze %dma_wait3A_120 : memref<1x50x64xf32, #tpu.memory_space<vmem>> -> memref<50x64xf32, #tpu.memory_space<vmem>>
    %dma_wait3A_122 = arith.constant 0 : i32
    %dma_wait3A_123 = arith.constant 0 : i32
    %dma_wait3A_124 = tpu.memref_slice %arg4[%mul3A_2, %dma_wait3A_122, %dma_wait3A_123] : memref<4096x50x64xf32, #tpu.memory_space<hbm>> -> memref<1x50x64xf32, #tpu.memory_space<hbm>>
    %dma_wait3A_125 = tpu.memref_squeeze %dma_wait3A_124 : memref<1x50x64xf32, #tpu.memory_space<hbm>> -> memref<50x64xf32, #tpu.memory_space<hbm>>
    %dma_wait3A_126 = tpu.memref_slice %arg8[%dma_wait3A_117] : memref<8x!tpu.dma_semaphore, #tpu.memory_space<semaphore_mem>> -> memref<1x!tpu.dma_semaphore, #tpu.memory_space<semaphore_mem>>
    %dma_wait3A_127 = tpu.memref_squeeze %dma_wait3A_126 : memref<1x!tpu.dma_semaphore, #tpu.memory_space<semaphore_mem>> -> memref<!tpu.dma_semaphore, #tpu.memory_space<semaphore_mem>>
    %dma_wait3A_128 = arith.constant 0 : i32
    %dma_wait3A_129 = arith.constant 0 : i32
    %dma_wait3A_130 = tpu.memref_slice %arg4[%mul3A_2, %dma_wait3A_128, %dma_wait3A_129] : memref<4096x50x64xf32, #tpu.memory_space<hbm>> -> memref<1x50x64xf32, #tpu.memory_space<hbm>>
    %dma_wait3A_131 = tpu.memref_squeeze %dma_wait3A_130 : memref<1x50x64xf32, #tpu.memory_space<hbm>> -> memref<50x64xf32, #tpu.memory_space<hbm>>
    %dma_wait3A_132 = arith.constant 0 : i32
    %dma_wait3A_133 = arith.constant 0 : i32
    %dma_wait3A_134 = tpu.memref_slice %arg6[%dma_wait3A_116, %dma_wait3A_132, %dma_wait3A_133] : memref<8x50x128xf32, #tpu.memory_space<vmem>> -> memref<1x50x64xf32, #tpu.memory_space<vmem>>
    %dma_wait3A_135 = tpu.memref_squeeze %dma_wait3A_134 : memref<1x50x64xf32, #tpu.memory_space<vmem>> -> memref<50x64xf32, #tpu.memory_space<vmem>>
    tpu.wait_dma2 semaphore(%dma_wait3A_127 : memref<!tpu.dma_semaphore, #tpu.memory_space<semaphore_mem>>) src(%dma_wait3A_135 : memref<50x64xf32, #tpu.memory_space<vmem>>) dst(%dma_wait3A_131 : memref<50x64xf32, #tpu.memory_space<hbm>>)
    %dma_wait3A_136 = arith.constant 2 : i32
    %dma_wait3A_137 = arith.constant 2 : i32
    %dma_wait3A_138 = arith.constant 0 : i32
    %dma_wait3A_139 = arith.constant 0 : i32
    %dma_wait3A_140 = tpu.memref_slice %arg6[%dma_wait3A_136, %dma_wait3A_138, %dma_wait3A_139] : memref<8x50x128xf32, #tpu.memory_space<vmem>> -> memref<1x50x64xf32, #tpu.memory_space<vmem>>
    %dma_wait3A_141 = tpu.memref_squeeze %dma_wait3A_140 : memref<1x50x64xf32, #tpu.memory_space<vmem>> -> memref<50x64xf32, #tpu.memory_space<vmem>>
    %dma_wait3A_142 = arith.constant 0 : i32
    %dma_wait3A_143 = arith.constant 0 : i32
    %dma_wait3A_144 = tpu.memref_slice %arg4[%mul3A_2, %dma_wait3A_142, %dma_wait3A_143] : memref<4096x50x64xf32, #tpu.memory_space<hbm>> -> memref<1x50x64xf32, #tpu.memory_space<hbm>>
    %dma_wait3A_145 = tpu.memref_squeeze %dma_wait3A_144 : memref<1x50x64xf32, #tpu.memory_space<hbm>> -> memref<50x64xf32, #tpu.memory_space<hbm>>
    %dma_wait3A_146 = tpu.memref_slice %arg8[%dma_wait3A_137] : memref<8x!tpu.dma_semaphore, #tpu.memory_space<semaphore_mem>> -> memref<1x!tpu.dma_semaphore, #tpu.memory_space<semaphore_mem>>
    %dma_wait3A_147 = tpu.memref_squeeze %dma_wait3A_146 : memref<1x!tpu.dma_semaphore, #tpu.memory_space<semaphore_mem>> -> memref<!tpu.dma_semaphore, #tpu.memory_space<semaphore_mem>>
    %dma_wait3A_148 = arith.constant 0 : i32
    %dma_wait3A_149 = arith.constant 0 : i32
    %dma_wait3A_150 = tpu.memref_slice %arg4[%mul3A_2, %dma_wait3A_148, %dma_wait3A_149] : memref<4096x50x64xf32, #tpu.memory_space<hbm>> -> memref<1x50x64xf32, #tpu.memory_space<hbm>>
    %dma_wait3A_151 = tpu.memref_squeeze %dma_wait3A_150 : memref<1x50x64xf32, #tpu.memory_space<hbm>> -> memref<50x64xf32, #tpu.memory_space<hbm>>
    %dma_wait3A_152 = arith.constant 0 : i32
    %dma_wait3A_153 = arith.constant 0 : i32
    %dma_wait3A_154 = tpu.memref_slice %arg6[%dma_wait3A_136, %dma_wait3A_152, %dma_wait3A_153] : memref<8x50x128xf32, #tpu.memory_space<vmem>> -> memref<1x50x64xf32, #tpu.memory_space<vmem>>
    %dma_wait3A_155 = tpu.memref_squeeze %dma_wait3A_154 : memref<1x50x64xf32, #tpu.memory_space<vmem>> -> memref<50x64xf32, #tpu.memory_space<vmem>>
    tpu.wait_dma2 semaphore(%dma_wait3A_147 : memref<!tpu.dma_semaphore, #tpu.memory_space<semaphore_mem>>) src(%dma_wait3A_155 : memref<50x64xf32, #tpu.memory_space<vmem>>) dst(%dma_wait3A_151 : memref<50x64xf32, #tpu.memory_space<hbm>>)
    %dma_wait3A_156 = arith.constant 3 : i32
    %dma_wait3A_157 = arith.constant 3 : i32
    %dma_wait3A_158 = arith.constant 0 : i32
    %dma_wait3A_159 = arith.constant 0 : i32
    %dma_wait3A_160 = tpu.memref_slice %arg6[%dma_wait3A_156, %dma_wait3A_158, %dma_wait3A_159] : memref<8x50x128xf32, #tpu.memory_space<vmem>> -> memref<1x50x64xf32, #tpu.memory_space<vmem>>
    %dma_wait3A_161 = tpu.memref_squeeze %dma_wait3A_160 : memref<1x50x64xf32, #tpu.memory_space<vmem>> -> memref<50x64xf32, #tpu.memory_space<vmem>>
    %dma_wait3A_162 = arith.constant 0 : i32
    %dma_wait3A_163 = arith.constant 0 : i32
    %dma_wait3A_164 = tpu.memref_slice %arg4[%mul3A_2, %dma_wait3A_162, %dma_wait3A_163] : memref<4096x50x64xf32, #tpu.memory_space<hbm>> -> memref<1x50x64xf32, #tpu.memory_space<hbm>>
    %dma_wait3A_165 = tpu.memref_squeeze %dma_wait3A_164 : memref<1x50x64xf32, #tpu.memory_space<hbm>> -> memref<50x64xf32, #tpu.memory_space<hbm>>
    %dma_wait3A_166 = tpu.memref_slice %arg8[%dma_wait3A_157] : memref<8x!tpu.dma_semaphore, #tpu.memory_space<semaphore_mem>> -> memref<1x!tpu.dma_semaphore, #tpu.memory_space<semaphore_mem>>
    %dma_wait3A_167 = tpu.memref_squeeze %dma_wait3A_166 : memref<1x!tpu.dma_semaphore, #tpu.memory_space<semaphore_mem>> -> memref<!tpu.dma_semaphore, #tpu.memory_space<semaphore_mem>>
    %dma_wait3A_168 = arith.constant 0 : i32
    %dma_wait3A_169 = arith.constant 0 : i32
    %dma_wait3A_170 = tpu.memref_slice %arg4[%mul3A_2, %dma_wait3A_168, %dma_wait3A_169] : memref<4096x50x64xf32, #tpu.memory_space<hbm>> -> memref<1x50x64xf32, #tpu.memory_space<hbm>>
    %dma_wait3A_171 = tpu.memref_squeeze %dma_wait3A_170 : memref<1x50x64xf32, #tpu.memory_space<hbm>> -> memref<50x64xf32, #tpu.memory_space<hbm>>
    %dma_wait3A_172 = arith.constant 0 : i32
    %dma_wait3A_173 = arith.constant 0 : i32
    %dma_wait3A_174 = tpu.memref_slice %arg6[%dma_wait3A_156, %dma_wait3A_172, %dma_wait3A_173] : memref<8x50x128xf32, #tpu.memory_space<vmem>> -> memref<1x50x64xf32, #tpu.memory_space<vmem>>
    %dma_wait3A_175 = tpu.memref_squeeze %dma_wait3A_174 : memref<1x50x64xf32, #tpu.memory_space<vmem>> -> memref<50x64xf32, #tpu.memory_space<vmem>>
    tpu.wait_dma2 semaphore(%dma_wait3A_167 : memref<!tpu.dma_semaphore, #tpu.memory_space<semaphore_mem>>) src(%dma_wait3A_175 : memref<50x64xf32, #tpu.memory_space<vmem>>) dst(%dma_wait3A_171 : memref<50x64xf32, #tpu.memory_space<hbm>>)
    %dma_wait3A_176 = arith.constant 4 : i32
    %dma_wait3A_177 = arith.constant 4 : i32
    %dma_wait3A_178 = arith.constant 0 : i32
    %dma_wait3A_179 = arith.constant 0 : i32
    %dma_wait3A_180 = tpu.memref_slice %arg6[%dma_wait3A_176, %dma_wait3A_178, %dma_wait3A_179] : memref<8x50x128xf32, #tpu.memory_space<vmem>> -> memref<1x50x64xf32, #tpu.memory_space<vmem>>
    %dma_wait3A_181 = tpu.memref_squeeze %dma_wait3A_180 : memref<1x50x64xf32, #tpu.memory_space<vmem>> -> memref<50x64xf32, #tpu.memory_space<vmem>>
    %dma_wait3A_182 = arith.constant 0 : i32
    %dma_wait3A_183 = arith.constant 0 : i32
    %dma_wait3A_184 = tpu.memref_slice %arg4[%mul3A_2, %dma_wait3A_182, %dma_wait3A_183] : memref<4096x50x64xf32, #tpu.memory_space<hbm>> -> memref<1x50x64xf32, #tpu.memory_space<hbm>>
    %dma_wait3A_185 = tpu.memref_squeeze %dma_wait3A_184 : memref<1x50x64xf32, #tpu.memory_space<hbm>> -> memref<50x64xf32, #tpu.memory_space<hbm>>
    %dma_wait3A_186 = tpu.memref_slice %arg8[%dma_wait3A_177] : memref<8x!tpu.dma_semaphore, #tpu.memory_space<semaphore_mem>> -> memref<1x!tpu.dma_semaphore, #tpu.memory_space<semaphore_mem>>
    %dma_wait3A_187 = tpu.memref_squeeze %dma_wait3A_186 : memref<1x!tpu.dma_semaphore, #tpu.memory_space<semaphore_mem>> -> memref<!tpu.dma_semaphore, #tpu.memory_space<semaphore_mem>>
    %dma_wait3A_188 = arith.constant 0 : i32
    %dma_wait3A_189 = arith.constant 0 : i32
    %dma_wait3A_190 = tpu.memref_slice %arg4[%mul3A_2, %dma_wait3A_188, %dma_wait3A_189] : memref<4096x50x64xf32, #tpu.memory_space<hbm>> -> memref<1x50x64xf32, #tpu.memory_space<hbm>>
    %dma_wait3A_191 = tpu.memref_squeeze %dma_wait3A_190 : memref<1x50x64xf32, #tpu.memory_space<hbm>> -> memref<50x64xf32, #tpu.memory_space<hbm>>
    %dma_wait3A_192 = arith.constant 0 : i32
    %dma_wait3A_193 = arith.constant 0 : i32
    %dma_wait3A_194 = tpu.memref_slice %arg6[%dma_wait3A_176, %dma_wait3A_192, %dma_wait3A_193] : memref<8x50x128xf32, #tpu.memory_space<vmem>> -> memref<1x50x64xf32, #tpu.memory_space<vmem>>
    %dma_wait3A_195 = tpu.memref_squeeze %dma_wait3A_194 : memref<1x50x64xf32, #tpu.memory_space<vmem>> -> memref<50x64xf32, #tpu.memory_space<vmem>>
    tpu.wait_dma2 semaphore(%dma_wait3A_187 : memref<!tpu.dma_semaphore, #tpu.memory_space<semaphore_mem>>) src(%dma_wait3A_195 : memref<50x64xf32, #tpu.memory_space<vmem>>) dst(%dma_wait3A_191 : memref<50x64xf32, #tpu.memory_space<hbm>>)
    %dma_wait3A_196 = arith.constant 5 : i32
    %dma_wait3A_197 = arith.constant 5 : i32
    %dma_wait3A_198 = arith.constant 0 : i32
    %dma_wait3A_199 = arith.constant 0 : i32
    %dma_wait3A_200 = tpu.memref_slice %arg6[%dma_wait3A_196, %dma_wait3A_198, %dma_wait3A_199] : memref<8x50x128xf32, #tpu.memory_space<vmem>> -> memref<1x50x64xf32, #tpu.memory_space<vmem>>
    %dma_wait3A_201 = tpu.memref_squeeze %dma_wait3A_200 : memref<1x50x64xf32, #tpu.memory_space<vmem>> -> memref<50x64xf32, #tpu.memory_space<vmem>>
    %dma_wait3A_202 = arith.constant 0 : i32
    %dma_wait3A_203 = arith.constant 0 : i32
    %dma_wait3A_204 = tpu.memref_slice %arg4[%mul3A_2, %dma_wait3A_202, %dma_wait3A_203] : memref<4096x50x64xf32, #tpu.memory_space<hbm>> -> memref<1x50x64xf32, #tpu.memory_space<hbm>>
    %dma_wait3A_205 = tpu.memref_squeeze %dma_wait3A_204 : memref<1x50x64xf32, #tpu.memory_space<hbm>> -> memref<50x64xf32, #tpu.memory_space<hbm>>
    %dma_wait3A_206 = tpu.memref_slice %arg8[%dma_wait3A_197] : memref<8x!tpu.dma_semaphore, #tpu.memory_space<semaphore_mem>> -> memref<1x!tpu.dma_semaphore, #tpu.memory_space<semaphore_mem>>
    %dma_wait3A_207 = tpu.memref_squeeze %dma_wait3A_206 : memref<1x!tpu.dma_semaphore, #tpu.memory_space<semaphore_mem>> -> memref<!tpu.dma_semaphore, #tpu.memory_space<semaphore_mem>>
    %dma_wait3A_208 = arith.constant 0 : i32
    %dma_wait3A_209 = arith.constant 0 : i32
    %dma_wait3A_210 = tpu.memref_slice %arg4[%mul3A_2, %dma_wait3A_208, %dma_wait3A_209] : memref<4096x50x64xf32, #tpu.memory_space<hbm>> -> memref<1x50x64xf32, #tpu.memory_space<hbm>>
    %dma_wait3A_211 = tpu.memref_squeeze %dma_wait3A_210 : memref<1x50x64xf32, #tpu.memory_space<hbm>> -> memref<50x64xf32, #tpu.memory_space<hbm>>
    %dma_wait3A_212 = arith.constant 0 : i32
    %dma_wait3A_213 = arith.constant 0 : i32
    %dma_wait3A_214 = tpu.memref_slice %arg6[%dma_wait3A_196, %dma_wait3A_212, %dma_wait3A_213] : memref<8x50x128xf32, #tpu.memory_space<vmem>> -> memref<1x50x64xf32, #tpu.memory_space<vmem>>
    %dma_wait3A_215 = tpu.memref_squeeze %dma_wait3A_214 : memref<1x50x64xf32, #tpu.memory_space<vmem>> -> memref<50x64xf32, #tpu.memory_space<vmem>>
    tpu.wait_dma2 semaphore(%dma_wait3A_207 : memref<!tpu.dma_semaphore, #tpu.memory_space<semaphore_mem>>) src(%dma_wait3A_215 : memref<50x64xf32, #tpu.memory_space<vmem>>) dst(%dma_wait3A_211 : memref<50x64xf32, #tpu.memory_space<hbm>>)
    %dma_wait3A_216 = arith.constant 6 : i32
    %dma_wait3A_217 = arith.constant 6 : i32
    %dma_wait3A_218 = arith.constant 0 : i32
    %dma_wait3A_219 = arith.constant 0 : i32
    %dma_wait3A_220 = tpu.memref_slice %arg6[%dma_wait3A_216, %dma_wait3A_218, %dma_wait3A_219] : memref<8x50x128xf32, #tpu.memory_space<vmem>> -> memref<1x50x64xf32, #tpu.memory_space<vmem>>
    %dma_wait3A_221 = tpu.memref_squeeze %dma_wait3A_220 : memref<1x50x64xf32, #tpu.memory_space<vmem>> -> memref<50x64xf32, #tpu.memory_space<vmem>>
    %dma_wait3A_222 = arith.constant 0 : i32
    %dma_wait3A_223 = arith.constant 0 : i32
    %dma_wait3A_224 = tpu.memref_slice %arg4[%mul3A_2, %dma_wait3A_222, %dma_wait3A_223] : memref<4096x50x64xf32, #tpu.memory_space<hbm>> -> memref<1x50x64xf32, #tpu.memory_space<hbm>>
    %dma_wait3A_225 = tpu.memref_squeeze %dma_wait3A_224 : memref<1x50x64xf32, #tpu.memory_space<hbm>> -> memref<50x64xf32, #tpu.memory_space<hbm>>
    %dma_wait3A_226 = tpu.memref_slice %arg8[%dma_wait3A_217] : memref<8x!tpu.dma_semaphore, #tpu.memory_space<semaphore_mem>> -> memref<1x!tpu.dma_semaphore, #tpu.memory_space<semaphore_mem>>
    %dma_wait3A_227 = tpu.memref_squeeze %dma_wait3A_226 : memref<1x!tpu.dma_semaphore, #tpu.memory_space<semaphore_mem>> -> memref<!tpu.dma_semaphore, #tpu.memory_space<semaphore_mem>>
    %dma_wait3A_228 = arith.constant 0 : i32
    %dma_wait3A_229 = arith.constant 0 : i32
    %dma_wait3A_230 = tpu.memref_slice %arg4[%mul3A_2, %dma_wait3A_228, %dma_wait3A_229] : memref<4096x50x64xf32, #tpu.memory_space<hbm>> -> memref<1x50x64xf32, #tpu.memory_space<hbm>>
    %dma_wait3A_231 = tpu.memref_squeeze %dma_wait3A_230 : memref<1x50x64xf32, #tpu.memory_space<hbm>> -> memref<50x64xf32, #tpu.memory_space<hbm>>
    %dma_wait3A_232 = arith.constant 0 : i32
    %dma_wait3A_233 = arith.constant 0 : i32
    %dma_wait3A_234 = tpu.memref_slice %arg6[%dma_wait3A_216, %dma_wait3A_232, %dma_wait3A_233] : memref<8x50x128xf32, #tpu.memory_space<vmem>> -> memref<1x50x64xf32, #tpu.memory_space<vmem>>
    %dma_wait3A_235 = tpu.memref_squeeze %dma_wait3A_234 : memref<1x50x64xf32, #tpu.memory_space<vmem>> -> memref<50x64xf32, #tpu.memory_space<vmem>>
    tpu.wait_dma2 semaphore(%dma_wait3A_227 : memref<!tpu.dma_semaphore, #tpu.memory_space<semaphore_mem>>) src(%dma_wait3A_235 : memref<50x64xf32, #tpu.memory_space<vmem>>) dst(%dma_wait3A_231 : memref<50x64xf32, #tpu.memory_space<hbm>>)
    %dma_wait3A_236 = arith.constant 7 : i32
    %dma_wait3A_237 = arith.constant 7 : i32
    %dma_wait3A_238 = arith.constant 0 : i32
    %dma_wait3A_239 = arith.constant 0 : i32
    %dma_wait3A_240 = tpu.memref_slice %arg6[%dma_wait3A_236, %dma_wait3A_238, %dma_wait3A_239] : memref<8x50x128xf32, #tpu.memory_space<vmem>> -> memref<1x50x64xf32, #tpu.memory_space<vmem>>
    %dma_wait3A_241 = tpu.memref_squeeze %dma_wait3A_240 : memref<1x50x64xf32, #tpu.memory_space<vmem>> -> memref<50x64xf32, #tpu.memory_space<vmem>>
    %dma_wait3A_242 = arith.constant 0 : i32
    %dma_wait3A_243 = arith.constant 0 : i32
    %dma_wait3A_244 = tpu.memref_slice %arg4[%mul3A_2, %dma_wait3A_242, %dma_wait3A_243] : memref<4096x50x64xf32, #tpu.memory_space<hbm>> -> memref<1x50x64xf32, #tpu.memory_space<hbm>>
    %dma_wait3A_245 = tpu.memref_squeeze %dma_wait3A_244 : memref<1x50x64xf32, #tpu.memory_space<hbm>> -> memref<50x64xf32, #tpu.memory_space<hbm>>
    %dma_wait3A_246 = tpu.memref_slice %arg8[%dma_wait3A_237] : memref<8x!tpu.dma_semaphore, #tpu.memory_space<semaphore_mem>> -> memref<1x!tpu.dma_semaphore, #tpu.memory_space<semaphore_mem>>
    %dma_wait3A_247 = tpu.memref_squeeze %dma_wait3A_246 : memref<1x!tpu.dma_semaphore, #tpu.memory_space<semaphore_mem>> -> memref<!tpu.dma_semaphore, #tpu.memory_space<semaphore_mem>>
    %dma_wait3A_248 = arith.constant 0 : i32
    %dma_wait3A_249 = arith.constant 0 : i32
    %dma_wait3A_250 = tpu.memref_slice %arg4[%mul3A_2, %dma_wait3A_248, %dma_wait3A_249] : memref<4096x50x64xf32, #tpu.memory_space<hbm>> -> memref<1x50x64xf32, #tpu.memory_space<hbm>>
    %dma_wait3A_251 = tpu.memref_squeeze %dma_wait3A_250 : memref<1x50x64xf32, #tpu.memory_space<hbm>> -> memref<50x64xf32, #tpu.memory_space<hbm>>
    %dma_wait3A_252 = arith.constant 0 : i32
    %dma_wait3A_253 = arith.constant 0 : i32
    %dma_wait3A_254 = tpu.memref_slice %arg6[%dma_wait3A_236, %dma_wait3A_252, %dma_wait3A_253] : memref<8x50x128xf32, #tpu.memory_space<vmem>> -> memref<1x50x64xf32, #tpu.memory_space<vmem>>
    %dma_wait3A_255 = tpu.memref_squeeze %dma_wait3A_254 : memref<1x50x64xf32, #tpu.memory_space<vmem>> -> memref<50x64xf32, #tpu.memory_space<vmem>>
    tpu.wait_dma2 semaphore(%dma_wait3A_247 : memref<!tpu.dma_semaphore, #tpu.memory_space<semaphore_mem>>) src(%dma_wait3A_255 : memref<50x64xf32, #tpu.memory_space<vmem>>) dst(%dma_wait3A_251 : memref<50x64xf32, #tpu.memory_space<hbm>>)
    return
  }
}

</mosaic_0001>

<sc_bundles>
// kernel: kernel.3.cloned.1.call-start
scs
__scs_entry_jumppad:
0x0: {  	(pc) =	sbr.rel $0x88, $3  }
0x1: {  	(tag) =	ssettag $0x0;
	lr =	simm.s32 $0x1  }
0x2: {  	[smem:$0x3F9F] =	sst lr;
	_ =	strace $0xD0000000  }
0x3: {  	_ = 	snop  }
0x4: {  	_ = 	snop  }
0x5: {  	_ = 	snop  }
0x6: {  	_ = 	snop  }
0x7: {  	_ = 	snop  }
__scs_overlays_trampoline_lowered:
0x8: {  	[smem:$0x3FAE] =	sst s0  }
0x9: {  	[smem:$0x3FAF] =	sst s1  }
0xa: {  	[smem:$0x3FB0] =	sst s2  }
0xb: {  	[smem:$0x3FB1] =	sst s3  }
0xc: {  	[smem:$0x3FB2] =	sst s4  }
0xd: {  	[smem:$0x3FB3] =	sst s5  }
0xe: {  	[smem:$0x3FB4] =	sst s6  }
0xf: {  	[smem:$0x3FB5] =	sst s7  }
0x10: {  	[smem:$0x3FB6] =	sst s8  }
0x11: {  	[smem:$0x3FB7] =	sst s9;
	s0 =	simm.s32 @!p0 $0x0  }
0x12: {  	s1 =	sld [smem:$0x3F9D];
	s0 =	simm.s32 @p0 $0x1  }
0x13: {  	[smem:$0x3FB8] =	sst s0;
	s0 =	simm.s32 @!p1 $0x0  }
0x14: {  	s2 =	sld [smem:$0x3F9C];
	s0 =	simm.s32 @p1 $0x1  }
0x15: {  	[smem:$0x3FB9] =	sst s0;
	s0 =	simm.s32 @!p2 $0x0  }
0x16: {  	s3 =	sld [smem:$0x3FDB];
	s0 =	simm.s32 @p2 $0x1  }
0x17: {  	s4 =	simm.s32 $0x1BF5;
	[smem:$0x3FBB] =	sst s0  }
0x18: {  	s0 =	sld [smem:$0x3F9E];
	_ =	swait.ge [sflag:s4], $0x0  }
0x19: {  	s7 =	sld [smem:$0x3F9F]  }
0x1a: {  	s8 =	sadd.s32 $0xFFFFE003, lr  }
0x1b: {  	s9 =	sadd.s32 $0xFFFFFEF7, lr;
	s5 =	simm.s32 $0xFFFFFFFF;
	p2 =	slt.u32 s8, $0xFFFFF086  }
0x1c: {  	p1 =	slt.u32 s9, $0xF7A;
	s5 =	simm.s32 @!p2 $0x0  }
0x1d: {  	s5 =	simm.s32 @p1 $0x1;
	p0 =	seq.s32 s7, s2  }
0x1e: {  	s7 =	smul.u32 @!p0 $0xF7A, s2;
	p2 =	seq.s32 @!p0 s5, $0x0  }
0x1f: {  	s9 =	smul.u32 $0xF7A, s1;
	s8 =	simm.s32 @!p0 $0x1BF5;
	p2 =	por !p2, p0  }
0x20: {  	[sflag:s8] =	ssyncset.s32 @!p0 $0xFFFFF086;
	s6 =	sadd.s32 @!p0 s3, s7;
	s7 =	simm.s32 @!p0 $0x108  }
0x21: {  	s3 =	sadd.s32 s3, s9;
	s6 =	sadd.s32 @!p0 $0x88, s6;
	s7 =	simm.s32 @p2 $0x1082  }
0x22: {  	[simem:s7], [sflag:s8] =	dma.local @!p0 [hbm:s6], $0xF7A  }
0x23: {  	s9 =	sor.u32 $0xD0000000, s2;
	s6 =	simm.s32 $0x108;
	_ =	swait.ge @!p0 [sflag:s8], $0x0  }
0x24: {  	s3 =	sadd.s32 $0x88, s3;
	s6 =	simm.s32 @!p1 $0x1082;
	[sflag:s4] =	ssyncset.s32 $0xFFFFF086  }
0x25: {  	[simem:s6], [sflag:s4] =	dma.local [hbm:s3], $0xF7A  }
0x26: {  	[smem:$0x3F9F] =	sst s1;
	(tag) =	ssettag s2;
	_ =	strace s9  }
0x27: {  	s1 =	sld [smem:$0x3FAF]  }
0x28: {  	s2 =	sld [smem:$0x3FB0]  }
0x29: {  	s4 =	sld [smem:$0x3FB2]  }
0x2a: {  	p0 =	seq.s32 s5, $0x0;
	s5 =	sld [smem:$0x3FB3]  }
0x2b: {  	s6 =	sld [smem:$0x3FB4]  }
0x2c: {  	s7 =	sld [smem:$0x3FB5]  }
0x2d: {  	s3 =	simm.s32 $0x108;
	s8 =	sld [smem:$0x3FB6]  }
0x2e: {  	s3 =	simm.s32 @!p0 $0x1082;
	s9 =	sld [smem:$0x3FB7]  }
0x2f: {  	lr =	sadd.s32 s0, s3;
	s0 =	sld [smem:$0x3FAE]  }
0x30: {  	s3 =	sld [smem:$0x3FB1]  }
0x31: {  	[smem:$0x3FBA] =	sst s10  }
0x32: {  	s10 =	sld [smem:$0x3FB8];
	_ =	sdelay $0x3  }
0x33: {  	p0 =	seq.s32 s10, $0x1;
	s10 =	sld [smem:$0x3FBA];
	_ =	sdelay $0x3  }
0x34: {  	[smem:$0x3FBA] =	sst s10  }
0x35: {  	s10 =	sld [smem:$0x3FB9];
	_ =	sdelay $0x3  }
0x36: {  	p1 =	seq.s32 s10, $0x1;
	s10 =	sld [smem:$0x3FBA];
	_ =	sdelay $0x3  }
0x37: {  	[smem:$0x3FBA] =	sst s10  }
0x38: {  	s10 =	sld [smem:$0x3FBB]  }
0x39: {  	_ = 	snop;
	(pc) =	sbr.ind lr, $3  }
0x3a: {  	_ = 	snop  }
0x3b: {  	_ = 	snop  }
0x3c: {  	p2 =	seq.s32 s10, $0x1;
	s10 =	sld [smem:$0x3FBA]  }
0x3d: {  	_ =	shalt  }
0x3e: {  	_ =	shalt  }
0x3f: {  	_ =	shalt  }
0x40: {  	_ =	shalt  }
0x41: {  	_ =	shalt  }
0x42: {  	_ =	shalt  }
0x43: {  	_ =	shalt  }
0x44: {  	_ =	shalt  }
0x45: {  	_ =	shalt  }
0x46: {  	_ =	shalt  }
0x47: {  	_ =	shalt  }
0x48: {  	_ =	shalt  }
0x49: {  	_ =	shalt  }
0x4a: {  	_ =	shalt  }
0x4b: {  	_ =	shalt  }
0x4c: {  	_ =	shalt  }
0x4d: {  	_ =	shalt  }
0x4e: {  	_ =	shalt  }
0x4f: {  	_ =	shalt  }
0x50: {  	_ =	shalt  }
0x51: {  	_ =	shalt  }
0x52: {  	_ =	shalt  }
0x53: {  	_ =	shalt  }
0x54: {  	_ =	shalt  }
0x55: {  	_ =	shalt  }
0x56: {  	_ =	shalt  }
0x57: {  	_ =	shalt  }
0x58: {  	_ =	shalt  }
0x59: {  	_ =	shalt  }
0x5a: {  	_ =	shalt  }
0x5b: {  	_ =	shalt  }
0x5c: {  	_ =	shalt  }
0x5d: {  	_ =	shalt  }
0x5e: {  	_ =	shalt  }
0x5f: {  	_ =	shalt  }
0x60: {  	_ =	shalt  }
0x61: {  	_ =	shalt  }
0x62: {  	_ =	shalt  }
0x63: {  	_ =	shalt  }
0x64: {  	_ =	shalt  }
0x65: {  	_ =	shalt  }
0x66: {  	_ =	shalt  }
0x67: {  	_ =	shalt  }
0x68: {  	_ =	shalt  }
0x69: {  	_ =	shalt  }
0x6a: {  	_ =	shalt  }
0x6b: {  	_ =	shalt  }
0x6c: {  	_ =	shalt  }
0x6d: {  	_ =	shalt  }
0x6e: {  	_ =	shalt  }
0x6f: {  	_ =	shalt  }
0x70: {  	_ =	shalt  }
0x71: {  	_ =	shalt  }
0x72: {  	_ =	shalt  }
0x73: {  	_ =	shalt  }
0x74: {  	_ =	shalt  }
0x75: {  	_ =	shalt  }
0x76: {  	_ =	shalt  }
0x77: {  	_ =	shalt  }
0x78: {  	_ =	shalt  }
0x79: {  	_ =	shalt  }
0x7a: {  	_ =	shalt  }
0x7b: {  	_ =	shalt  }
0x7c: {  	_ =	shalt  }
0x7d: {  	_ =	shalt  }
0x7e: {  	_ =	shalt  }
0x7f: {  	_ =	shalt  }
0x80: {  	_ =	shalt  }
0x81: {  	_ =	shalt  }
0x82: {  	_ =	shalt  }
0x83: {  	_ =	shalt  }
0x84: {  	_ =	shalt  }
0x85: {  	_ =	shalt  }
0x86: {  	_ =	shalt  }
0x87: {  	_ =	shalt  }
.Lfunc_end0:
.L_simem_size_0:
called_computation.1_lowered:
.L_overlay_start_0:
0x88: {  	s2 =	sld [smem:$0x3FD9]  }
0x89: {  	s3 =	sld [smem:$0x3FFE];
	_ =	sdelay $0x1  }
0x8a: {  	s1 =	srdreg.scid  }
0x8b: {  	s0 =	sand.u32 $0x1, s1  }
0x8c: {  	s17 =	sshll.u32 s0, $0xA;
	s2 =	sadd.s32 s3, s2  }
0x8d: {  	s2 =	sadd.s32 s2, s17  }
0x8e: {  	[smem:$0x3FC6] =	sst s2  }
0x8f: {  	_ = 	snop  }
0x90: {  	s2 =	sld [smem:$0x3FD0];
	(tm) =	ssettm $0x1  }
0x91: {  	s18 =	sld [smem:$0x3FFB];
	_ =	sdelay $0x3  }
0x92: {  	_ =	strace s18  }
0x93: {  	s3 =	sld [smem:$0x3FFC];
	_ =	sdelay $0x3  }
0x94: {  	_ =	strace s3  }
0x95: {  	s3 =	sld [smem:$0x3FFD];
	_ =	sdelay $0x3  }
0x96: {  	_ =	strace s3  }
0x97: {  	_ =	strace $0x8FFFFFFF  }
0x98: {  	s19 =	sld [smem:$0x3FDB];
	_ =	sdelay $0x1  }
0x99: {  	s4 =	simm.s32 $_scs_section_size  }
0x9a: {  	s5 =	simm.s32 $_size__tile_overlayer_lowered;
	s6 =	simm.s32 $_tile_overlayer_lowered  }
0x9b: {  	s22 =	simm.s32 $0x1BFF;
	s21 =	sshll.u32 s6, $0x1;
	s3 =	sadd.s32 s4, s19  }
0x9c: {  	s7 =	simm.s32 $0x0;
	s20 =	sshll.u32 s5, $0x1;
	s5 =	sadd.s32 s21, s3  }
0x9d: {  	[timem:s7], [sflag:s22] =	dma.local [hbm:s5], s20  }
0x9e: {  	_ =	swait.ge [sflag:s22], s20  }
0x9f: {  	s4 =	ssub.s32 $0x0, s20;
	[sflag:s22] =	ssyncset.done $0x0  }
0xa0: {  	[sflag:s22] =	ssyncadd.s32 s4;
	_ =	sdelay $0x1  }
0xa1: {  	s23 =	simm.s32 $0x1B8B  }
0xa2: {  	_ =	swait.ge [sflag:s23], $0x1  }
0xa3: {  	[sflag:s23] =	ssyncset.done $0x0  }
0xa4: {  	s25 =	simm.s32 $0x1B8E;
	s24 =	sld [smem:$0x3FFE];
	[sflag:s23] =	ssyncadd.s32 $0xFFFFFFFF  }
0xa5: {  	s26 =	simm.s32 $execute0_lowered;
	[smem:$0x3FD2] =	sst s25  }
0xa6: {  	s5 =	sshll.u32 s26, $0x1;
	_ =	strace $0x80000046;
	[dreg:$0x1] =	wrdreg $0xFFFFFFFF  }
0xa7: {  	s28 =	simm.s32 $_size_execute0_lowered;
	s3 =	sadd.s32 s3, s5;
	[dreg:$0x0] =	wrdreg $0x0  }
0xa8: {  	s5 =	sshll.u32 s28, $0x1;
	[dreg:$0x2] =	wrdreg s3  }
0xa9: {  	[dreg:$0x3] =	wrdreg s5  }
0xaa: {  	[dreg:$0x4] =	wrdreg $0xC0  }
0xab: {  	_ =	task [dreg:s7], $0x5FFFF  }
0xac: {  	[dreg:$0x1] =	wrdreg $0xFFFFFFFF  }
0xad: {  	[dreg:$0x0] =	wrdreg $0x60  }
0xae: {  	[dreg:$0x2] =	wrdreg s24  }
0xaf: {  	[dreg:$0x3] =	wrdreg s2  }
0xb0: {  	[dreg:$0x4] =	wrdreg $0x9  }
0xb1: {  	_ =	task.clear_ibuf [dreg:s7], $0x5FFFF;
	_ =	strace $0x90000046  }
0xb2: {  	s29 =	simm.s32 $0x9;
	_ =	strace $0x80000048  }
0xb3: {  	_ =	swait.ge [sflag:s29], $0x1  }
0xb4: {  	[sflag:s29] =	ssyncadd.s32 $0xFFFFFFFF  }
0xb5: {  	_ =	strace $0x90000048  }
0xb6: {  	_ =	sfence  }
0xb7: {  	s30 =	sld [smem:$0x0];
	_ =	sdelay $0x2  }
0xb8: {  	s31 =	sshll.u32 s1, $0xD;
	s1 =	sshrl.u32 s1, $0x2  }
0xb9: {  	s3 =	sand.u32 $0x4000, s31;
	s1 =	sadd.s32 s1, s30  }
0xba: {  	s0 =	sor.u32 s3, s0;
	s1 =	sshll.u32 s1, $0x11  }
0xbb: {  	s0 =	sor.u32 s1, s0  }
0xbc: {  	s0 =	sadd.s32 $0x8F2B, s0  }
0xbd: {  	[sflag:s0] =	ssyncadd.remote.s32 $0x1  }
0xbe: {  	_ =	sfence.sel $0xFFFF  }
0xbf: {  	[dreg:$0x0] =	wrdreg $0xFFFFFFFF;
	(pc) =	sbr.abs _section_cstart, $3  }
0xc0: {  	[dreg:$0x1] =	wrdreg $0xFFFFFFFF  }
0xc1: {  	_ =	task.clear_ibuf [dreg:s7], $0x2FFFF;
	_ =	strace $0x9FFFFFFF  }
0xc2: {  	(tm) =	ssettm $0x7FFFFFFF  }
0xc3: {  	_ =	shalt  }
tec
execute0_lowered:
.L_overlay_start_1:
0x0: {  	(tag) =	ssettag $0x1  }
0x1: {  	s0 =	srdreg.scid;
	s2 =	stileid.u32  }
0x2: {  	s1 =	rddreg [dreg:$0x0];
	s9 =	simm.s32 $0x32;
	s21 =	simm.s32 $0xB200  }
0x3: {  	s22 =	simm.s32 $0x1;
	s23 =	simm.s32 $0xCB00;
	s24 =	simm.s32 $0x2  }
0x4: {  	s25 =	simm.s32 $0x3;
	s28 =	simm.s32 $0x5;
	s29 =	simm.s32 $0x6  }
0x5: {  	s30 =	simm.s32 $0x7;
	s31 =	simm.s32 $0x8;
	s11 =	simm.s32 $0xC  }
0x6: {  	s12 =	simm.s32 $0xD;
	s13 =	simm.s32 $0xE;
	s0 =	sand.u32 $0x1, s0  }
0x7: {  	s14 =	simm.s32 $0xF;
	s3 =	sshll.u32 s2, $0x8;
	s4 =	sshll.u32 s0, $0x7  }
0x8: {  	s15 =	simm.s32 $0x10;
	s0 =	ssub.s32 $0x2, s0;
	s3 =	sor.u32 s4, s3  }
0x9: {  	s16 =	simm.s32 $0x0;
	s7 =	sshrl.u32 s0, $0x1;
	s5 =	smul.u32 $0x7, s3  }
0xa: {  	s2 =	rddreg [dreg:$0x1];
	s4 =	simm.s32 $0x0;
	s0 =	ssub.s32 s0, s7  }
0xb: {  	[smem:$0x7FF] =	sst s4;
	s0 =	smax.u32 s0, $0x1;
	s6 =	sadd.s32 s5, s1  }
0xc: {  	_ =	strace $0x80000047;
	[dreg:$0x4] =	wrdreg s0;
	s26 =	sadd.s32 $0xF42E00, s6  }
0xd: {  	s5 =	sadd.s32 $0xF49E00, s1;
	[dreg:$0x3] =	wrdreg s26;
	s26 =	simm.s32 $0x4  }
.LBB2_1:
0xe: {  	s0 =	rddreg [dreg:$0x3];
	s18 =	simm.s32 $0x11  }
0xf: {  	[tilespmem:s4], [sflag:$0x11] =	stream.linear.gather [hbm4b:s0+s4], $0x1C00, $0x38;
	[tilespmem:$0xE400] =	vst v63  }
0x10: {  	_ =	swait.ge [sflag:s18], $0x1C00  }
0x11: {  	[sflag:s18] =	ssyncset.done $0x0  }
0x12: {  	s19 =	simm.s32 $0x1C00;
	[sflag:s18] =	ssyncadd.s32 $0xFFFFE400  }
0x13: {  	[tilespmem:s19], [sflag:$0x1] =	stream.indirect.gather [hbm4b:s5+s9], $0x80, s4, s9, $0xb8;
	[tilespmem:$0xE400] =	vst v63  }
0x14: {  	s20 =	simm.s32 $0x38;
	s1 =	simm.s32 $0x3500  }
0x15: {  	[tilespmem:s1], [sflag:$0x2] =	stream.indirect.gather [hbm4b:s5+s9], $0x80, s20, s9, $0xb8;
	[tilespmem:$0xE400] =	vst v63  }
0x16: {  	s6 =	simm.s32 $0x70;
	s7 =	simm.s32 $0x4E00  }
0x17: {  	[tilespmem:s7], [sflag:$0x3] =	stream.indirect.gather [hbm4b:s5+s9], $0x80, s6, s9, $0xb8;
	[tilespmem:$0xE400] =	vst v63  }
0x18: {  	s8 =	simm.s32 $0xA8;
	s10 =	simm.s32 $0x6700  }
0x19: {  	[tilespmem:s10], [sflag:$0x4] =	stream.indirect.gather [hbm4b:s5+s9], $0x80, s8, s9, $0xb8;
	[tilespmem:$0xE400] =	vst v63  }
0x1a: {  	s17 =	simm.s32 $0xE0;
	s18 =	simm.s32 $0x8000  }
0x1b: {  	[tilespmem:s18], [sflag:$0x5] =	stream.indirect.gather [hbm4b:s5+s9], $0x80, s17, s9, $0xb8;
	[tilespmem:$0xE400] =	vst v63  }
0x1c: {  	s19 =	simm.s32 $0x118;
	s20 =	simm.s32 $0x9900;
	s17 =	simm.s32 $0x0  }
0x1d: {  	[tilespmem:s20], [sflag:$0x6] =	stream.indirect.gather [hbm4b:s5+s9], $0x80, s19, s9, $0xb8;
	[tilespmem:$0xE400] =	vst v63  }
.LBB2_2:
0x1e: {  	s20 =	sshll.u32 s17, $0x3;
	p0 =	seq.s32 s17, $0x0  }
0x1f: {  	s18 =	sor.u32 $0x6, s20;
	s0 =	simm.s32 @!p0 $0xF  }
0x20: {  	_ =	swait.ge @!p0 [sflag:s0], $0xC80;
	s1 =	smul.u32 $0xE0, s18  }
0x21: {  	s19 =	sadd.s32 s3, s20;
	[sflag:s0] =	ssyncset.done @!p0 $0x0  }
0x22: {  	[sflag:s0] =	ssyncadd.s32 @!p0 $0xFFFFF380;
	s10 =	sshra.s32 s1, $0x2;
	s0 =	smul.u32 $0x190, s19  }
0x23: {  	[tilespmem:s21], [sflag:$0x7] =	stream.indirect.gather [hbm4b:s5+s9], $0x80, s10, s9, $0xb8;
	[tilespmem:$0xE400] =	vst v63  }
0x24: {  	s7 =	simm.s32 $0x1C00;
	_ =	swait.ge [sflag:s22], $0x1900  }
0x25: {  	s8 =	simm.s32 $0x8;
	s6 =	sadd.s32 s2, s0;
	[sflag:s22] =	ssyncset.done $0x0  }
0x26: {  	s1 =	simm.s32 $0x1C80;
	s0 =	sadd.s32 $0x0, s6;
	[sflag:s22] =	ssyncadd.s32 $0xFFFFE700  }
.LBB2_3:
0x27: {  	[hbm4b:s0+s4] =	stream.linear.scatter [tilespmem:s7], [sflag:$0x9], $0x40, $0x38;
	[tilespmem:$0xE400] =	vst v63  }
0x28: {  	s0 =	smov.u32 s8;
	s7 =	smov.u32 s1;
	p1 =	sne.s32 s8, $0x188  }
.Ltmp0:
0x29: {  	s8 =	sadd.s32 $0x8, s8;
	(pc) =	sbr.rel @p1 .LBB2_3-.Ltmp0, $2  }
0x2a: {  	_ =	sdelay $0x2  }
0x2b: {  	s1 =	sadd.s32 $0x80, s1;
	s0 =	sadd.s32 s0, s6  }
0x2c: {  	[hbm4b:s0+s4] =	stream.linear.scatter [tilespmem:s7], [sflag:$0x9], $0x40, $0x38;
	[tilespmem:$0xE400] =	vst v63  }
0x2d: {  	s19 =	sor.u32 $0x7, s20;
	s0 =	simm.s32 @!p0 $0x10  }
0x2e: {  	s6 =	sor.u32 $0x1, s20;
	_ =	swait.ge @!p0 [sflag:s0], $0xC80;
	s1 =	smul.u32 $0xE0, s19  }
0x2f: {  	s10 =	sadd.s32 s3, s6;
	[sflag:s0] =	ssyncset.done @!p0 $0x0  }
0x30: {  	[sflag:s0] =	ssyncadd.s32 @!p0 $0xFFFFF380;
	s8 =	sshra.s32 s1, $0x2;
	s0 =	smul.u32 $0x190, s10  }
0x31: {  	[tilespmem:s23], [sflag:$0x8] =	stream.indirect.gather [hbm4b:s5+s9], $0x80, s8, s9, $0xb8;
	[tilespmem:$0xE400] =	vst v63  }
0x32: {  	s7 =	simm.s32 $0x3500;
	_ =	swait.ge [sflag:s24], $0x1900  }
0x33: {  	s1 =	simm.s32 $0x3580;
	s6 =	sadd.s32 s2, s0;
	[sflag:s24] =	ssyncset.done $0x0  }
0x34: {  	s8 =	simm.s32 $0x8;
	s0 =	sadd.s32 $0x0, s6;
	[sflag:s24] =	ssyncadd.s32 $0xFFFFE700  }
.LBB2_5:
0x35: {  	[hbm4b:s0+s4] =	stream.linear.scatter [tilespmem:s7], [sflag:$0xA], $0x40, $0x38;
	[tilespmem:$0xE400] =	vst v63  }
0x36: {  	s0 =	smov.u32 s8;
	s7 =	smov.u32 s1;
	p0 =	sne.s32 s8, $0x188  }
.Ltmp1:
0x37: {  	s8 =	sadd.s32 $0x8, s8;
	(pc) =	sbr.rel @p0 .LBB2_5-.Ltmp1, $2  }
0x38: {  	_ =	sdelay $0x2  }
0x39: {  	s1 =	sadd.s32 $0x80, s1;
	s0 =	sadd.s32 s0, s6  }
0x3a: {  	[hbm4b:s0+s4] =	stream.linear.scatter [tilespmem:s7], [sflag:$0xA], $0x40, $0x38;
	[tilespmem:$0xE400] =	vst v63  }
0x3b: {  	p0 =	seq.s32 s17, $0xF  }
0x3c: {  	s0 =	simm.s32 @!p0 $0x9;
	s1 =	smul.u32 @!p0 $0x700, s17  }
0x3d: {  	s10 =	sor.u32 $0x2, s20;
	s8 =	simm.s32 @!p0 $0x1C00;
	_ =	swait.ge @!p0 [sflag:s0], $0xC80  }
0x3e: {  	s10 =	sadd.s32 s3, s10;
	[sflag:s0] =	ssyncset.done @!p0 $0x0;
	s6 =	sshra.s32 @!p0 s1, $0x2  }
0x3f: {  	s1 =	simm.s32 @!p0 $0x32;
	[sflag:s0] =	ssyncadd.s32 @!p0 $0xFFFFF380;
	s0 =	sadd.s32 @!p0 $0x1C0, s6  }
0x40: {  	[tilespmem:s8], [sflag:$0x1] =	stream.indirect.gather @!p0 [hbm4b:s5+s1], $0x80, s0, s1, $0xb8;
	[tilespmem:$0xE400] =	vst v63  }
0x41: {  	s0 =	smul.u32 $0x190, s10  }
0x42: {  	s8 =	simm.s32 $0x4E00;
	_ =	swait.ge [sflag:s25], $0x1900  }
0x43: {  	s1 =	simm.s32 $0x8;
	[sflag:s25] =	ssyncset.done $0x0;
	s7 =	sadd.s32 s2, s0  }
0x44: {  	s0 =	simm.s32 $0x4E80;
	[sflag:s25] =	ssyncadd.s32 $0xFFFFE700;
	s10 =	sadd.s32 $0x0, s7  }
.LBB2_7:
0x45: {  	[hbm4b:s10+s4] =	stream.linear.scatter [tilespmem:s8], [sflag:$0xB], $0x40, $0x38;
	[tilespmem:$0xE400] =	vst v63  }
0x46: {  	s10 =	smov.u32 s1;
	s8 =	smov.u32 s0;
	p1 =	sne.s32 s1, $0x188  }
.Ltmp2:
0x47: {  	s1 =	sadd.s32 $0x8, s1;
	(pc) =	sbr.rel @p1 .LBB2_7-.Ltmp2, $2  }
0x48: {  	_ =	sdelay $0x2  }
0x49: {  	s0 =	sadd.s32 $0x80, s0;
	s10 =	sadd.s32 s10, s7  }
0x4a: {  	[hbm4b:s10+s4] =	stream.linear.scatter [tilespmem:s8], [sflag:$0xB], $0x40, $0x38;
	[tilespmem:$0xE400] =	vst v63  }
0x4b: {  	s0 =	simm.s32 @!p0 $0xA  }
0x4c: {  	s1 =	sor.u32 $0x3, s20;
	_ =	swait.ge @!p0 [sflag:s0], $0xC80  }
0x4d: {  	s7 =	simm.s32 @!p0 $0x32;
	s8 =	simm.s32 @!p0 $0x3500;
	[sflag:s0] =	ssyncset.done @!p0 $0x0  }
0x4e: {  	s10 =	sadd.s32 s3, s1;
	[sflag:s0] =	ssyncadd.s32 @!p0 $0xFFFFF380;
	s0 =	sadd.s32 @!p0 $0x1F8, s6  }
0x4f: {  	[tilespmem:s8], [sflag:$0x2] =	stream.indirect.gather @!p0 [hbm4b:s5+s7], $0x80, s0, s7, $0xb8;
	[tilespmem:$0xE400] =	vst v63  }
0x50: {  	s0 =	smul.u32 $0x190, s10  }
0x51: {  	s1 =	simm.s32 $0x8;
	_ =	swait.ge [sflag:s26], $0x1900  }
0x52: {  	s8 =	simm.s32 $0x6700;
	[sflag:s26] =	ssyncset.done $0x0;
	s7 =	sadd.s32 s2, s0  }
0x53: {  	s0 =	simm.s32 $0x6780;
	[sflag:s26] =	ssyncadd.s32 $0xFFFFE700;
	s10 =	sadd.s32 $0x0, s7  }
.LBB2_9:
0x54: {  	[hbm4b:s10+s4] =	stream.linear.scatter [tilespmem:s8], [sflag:$0xC], $0x40, $0x38;
	[tilespmem:$0xE400] =	vst v63  }
0x55: {  	s10 =	smov.u32 s1;
	s8 =	smov.u32 s0;
	p1 =	sne.s32 s1, $0x188  }
.Ltmp3:
0x56: {  	s1 =	sadd.s32 $0x8, s1;
	(pc) =	sbr.rel @p1 .LBB2_9-.Ltmp3, $2  }
0x57: {  	_ =	sdelay $0x2  }
0x58: {  	s0 =	sadd.s32 $0x80, s0;
	s10 =	sadd.s32 s10, s7  }
0x59: {  	[hbm4b:s10+s4] =	stream.linear.scatter [tilespmem:s8], [sflag:$0xC], $0x40, $0x38;
	[tilespmem:$0xE400] =	vst v63  }
0x5a: {  	s0 =	simm.s32 @!p0 $0xB  }
0x5b: {  	s1 =	sor.u32 $0x4, s20;
	_ =	swait.ge @!p0 [sflag:s0], $0xC80  }
0x5c: {  	s7 =	simm.s32 @!p0 $0x32;
	s8 =	simm.s32 @!p0 $0x4E00;
	[sflag:s0] =	ssyncset.done @!p0 $0x0  }
0x5d: {  	s10 =	sadd.s32 s3, s1;
	[sflag:s0] =	ssyncadd.s32 @!p0 $0xFFFFF380;
	s0 =	sadd.s32 @!p0 $0x230, s6  }
0x5e: {  	[tilespmem:s8], [sflag:$0x3] =	stream.indirect.gather @!p0 [hbm4b:s5+s7], $0x80, s0, s7, $0xb8;
	[tilespmem:$0xE400] =	vst v63  }
0x5f: {  	s0 =	smul.u32 $0x190, s10  }
0x60: {  	s1 =	simm.s32 $0x8;
	_ =	swait.ge [sflag:s28], $0x1900  }
0x61: {  	s8 =	simm.s32 $0x8000;
	[sflag:s28] =	ssyncset.done $0x0;
	s7 =	sadd.s32 s2, s0  }
0x62: {  	s0 =	simm.s32 $0x8080;
	[sflag:s28] =	ssyncadd.s32 $0xFFFFE700;
	s10 =	sadd.s32 $0x0, s7  }
.LBB2_11:
0x63: {  	[hbm4b:s10+s4] =	stream.linear.scatter [tilespmem:s8], [sflag:$0xD], $0x40, $0x38;
	[tilespmem:$0xE400] =	vst v63  }
0x64: {  	s10 =	smov.u32 s1;
	s8 =	smov.u32 s0;
	p1 =	sne.s32 s1, $0x188  }
.Ltmp4:
0x65: {  	s1 =	sadd.s32 $0x8, s1;
	(pc) =	sbr.rel @p1 .LBB2_11-.Ltmp4, $2  }
0x66: {  	_ =	sdelay $0x2  }
0x67: {  	s0 =	sadd.s32 $0x80, s0;
	s10 =	sadd.s32 s10, s7  }
0x68: {  	[hbm4b:s10+s4] =	stream.linear.scatter [tilespmem:s8], [sflag:$0xD], $0x40, $0x38;
	[tilespmem:$0xE400] =	vst v63  }
0x69: {  	s0 =	simm.s32 @!p0 $0xC  }
0x6a: {  	s1 =	sor.u32 $0x5, s20;
	_ =	swait.ge @!p0 [sflag:s0], $0xC80  }
0x6b: {  	s7 =	simm.s32 @!p0 $0x32;
	s8 =	simm.s32 @!p0 $0x6700;
	[sflag:s0] =	ssyncset.done @!p0 $0x0  }
0x6c: {  	s20 =	sadd.s32 s3, s1;
	[sflag:s0] =	ssyncadd.s32 @!p0 $0xFFFFF380;
	s0 =	sadd.s32 @!p0 $0x268, s6  }
0x6d: {  	[tilespmem:s8], [sflag:$0x4] =	stream.indirect.gather @!p0 [hbm4b:s5+s7], $0x80, s0, s7, $0xb8;
	[tilespmem:$0xE400] =	vst v63  }
0x6e: {  	s0 =	smul.u32 $0x190, s20  }
0x6f: {  	s1 =	simm.s32 $0x8;
	_ =	swait.ge [sflag:s29], $0x1900  }
0x70: {  	s8 =	simm.s32 $0x9900;
	[sflag:s29] =	ssyncset.done $0x0;
	s7 =	sadd.s32 s2, s0  }
0x71: {  	s0 =	simm.s32 $0x9980;
	[sflag:s29] =	ssyncadd.s32 $0xFFFFE700;
	s10 =	sadd.s32 $0x0, s7  }
.LBB2_13:
0x72: {  	[hbm4b:s10+s4] =	stream.linear.scatter [tilespmem:s8], [sflag:$0xE], $0x40, $0x38;
	[tilespmem:$0xE400] =	vst v63  }
0x73: {  	s10 =	smov.u32 s1;
	s8 =	smov.u32 s0;
	p1 =	sne.s32 s1, $0x188  }
.Ltmp5:
0x74: {  	s1 =	sadd.s32 $0x8, s1;
	(pc) =	sbr.rel @p1 .LBB2_13-.Ltmp5, $2  }
0x75: {  	_ =	sdelay $0x2  }
0x76: {  	s0 =	sadd.s32 $0x80, s0;
	s10 =	sadd.s32 s10, s7  }
0x77: {  	[hbm4b:s10+s4] =	stream.linear.scatter [tilespmem:s8], [sflag:$0xE], $0x40, $0x38;
	[tilespmem:$0xE400] =	vst v63  }
0x78: {  	s0 =	simm.s32 @!p0 $0xD  }
0x79: {  	_ =	swait.ge @!p0 [sflag:s0], $0xC80  }
0x7a: {  	s1 =	simm.s32 @!p0 $0x32;
	s7 =	simm.s32 @!p0 $0x8000;
	[sflag:s0] =	ssyncset.done @!p0 $0x0  }
0x7b: {  	s20 =	sadd.s32 s3, s18;
	[sflag:s0] =	ssyncadd.s32 @!p0 $0xFFFFF380;
	s0 =	sadd.s32 @!p0 $0x2A0, s6  }
0x7c: {  	[tilespmem:s7], [sflag:$0x5] =	stream.indirect.gather @!p0 [hbm4b:s5+s1], $0x80, s0, s1, $0xb8;
	[tilespmem:$0xE400] =	vst v63  }
0x7d: {  	s0 =	smul.u32 $0x190, s20  }
0x7e: {  	s8 =	simm.s32 $0xB200;
	_ =	swait.ge [sflag:s30], $0x1900  }
0x7f: {  	s1 =	simm.s32 $0x8;
	[sflag:s30] =	ssyncset.done $0x0;
	s7 =	sadd.s32 s2, s0  }
0x80: {  	s0 =	simm.s32 $0xB280;
	[sflag:s30] =	ssyncadd.s32 $0xFFFFE700;
	s10 =	sadd.s32 $0x0, s7  }
.LBB2_15:
0x81: {  	[hbm4b:s10+s4] =	stream.linear.scatter [tilespmem:s8], [sflag:$0xF], $0x40, $0x38;
	[tilespmem:$0xE400] =	vst v63  }
0x82: {  	s10 =	smov.u32 s1;
	s8 =	smov.u32 s0;
	p1 =	sne.s32 s1, $0x188  }
.Ltmp6:
0x83: {  	s1 =	sadd.s32 $0x8, s1;
	(pc) =	sbr.rel @p1 .LBB2_15-.Ltmp6, $2  }
0x84: {  	_ =	sdelay $0x2  }
0x85: {  	s0 =	sadd.s32 $0x80, s0;
	s10 =	sadd.s32 s10, s7  }
0x86: {  	[hbm4b:s10+s4] =	stream.linear.scatter [tilespmem:s8], [sflag:$0xF], $0x40, $0x38;
	[tilespmem:$0xE400] =	vst v63  }
0x87: {  	s0 =	simm.s32 @!p0 $0xE  }
0x88: {  	_ =	swait.ge @!p0 [sflag:s0], $0xC80  }
0x89: {  	s1 =	simm.s32 @!p0 $0x32;
	s20 =	sadd.s32 s3, s19;
	[sflag:s0] =	ssyncset.done @!p0 $0x0  }
0x8a: {  	[sflag:s0] =	ssyncadd.s32 @!p0 $0xFFFFF380;
	s0 =	sadd.s32 @!p0 $0x2D8, s6;
	s6 =	simm.s32 @!p0 $0x9900  }
0x8b: {  	[tilespmem:s6], [sflag:$0x6] =	stream.indirect.gather @!p0 [hbm4b:s5+s1], $0x80, s0, s1, $0xb8;
	[tilespmem:$0xE400] =	vst v63  }
0x8c: {  	s0 =	smul.u32 $0x190, s20  }
0x8d: {  	s7 =	simm.s32 $0xCB00;
	_ =	swait.ge [sflag:s31], $0x1900  }
0x8e: {  	s1 =	simm.s32 $0x8;
	[sflag:s31] =	ssyncset.done $0x0;
	s6 =	sadd.s32 s2, s0  }
0x8f: {  	s0 =	simm.s32 $0xCB80;
	[sflag:s31] =	ssyncadd.s32 $0xFFFFE700;
	s8 =	sadd.s32 $0x0, s6  }
.LBB2_17:
0x90: {  	[hbm4b:s8+s4] =	stream.linear.scatter [tilespmem:s7], [sflag:$0x10], $0x40, $0x38;
	[tilespmem:$0xE400] =	vst v63  }
0x91: {  	s8 =	smov.u32 s1;
	s7 =	smov.u32 s0;
	p0 =	sne.s32 s1, $0x188  }
.Ltmp7:
0x92: {  	s1 =	sadd.s32 $0x8, s1;
	(pc) =	sbr.rel @p0 .LBB2_17-.Ltmp7, $2  }
0x93: {  	_ =	sdelay $0x2  }
0x94: {  	s0 =	sadd.s32 $0x80, s0;
	s8 =	sadd.s32 s8, s6  }
0x95: {  	s17 =	sadd.s32 $0x1, s17  }
0x96: {  	p0 =	sne.s32 s17, $0x10  }
.Ltmp8:
0x97: {  	_ = 	snop;
	(pc) =	sbr.rel @p0 .LBB2_2-.Ltmp8, $2  }
0x98: {  	_ =	sdelay $0x2  }
0x99: {  	[hbm4b:s8+s4] =	stream.linear.scatter [tilespmem:s7], [sflag:$0x10], $0x40, $0x38;
	[tilespmem:$0xE400] =	vst v63  }
0x9a: {  	s0 =	simm.s32 $0x9  }
0x9b: {  	_ =	swait.ge [sflag:s0], $0xC80  }
0x9c: {  	[sflag:s0] =	ssyncset.done $0x0  }
0x9d: {  	s18 =	simm.s32 $0xA;
	[sflag:s0] =	ssyncadd.s32 $0xFFFFF380  }
0x9e: {  	_ =	swait.ge [sflag:s18], $0xC80  }
0x9f: {  	[sflag:s18] =	ssyncset.done $0x0  }
0xa0: {  	s19 =	simm.s32 $0xB;
	[sflag:s18] =	ssyncadd.s32 $0xFFFFF380  }
0xa1: {  	_ =	swait.ge [sflag:s19], $0xC80  }
0xa2: {  	[sflag:s19] =	ssyncset.done $0x0  }
0xa3: {  	[sflag:s19] =	ssyncadd.s32 $0xFFFFF380  }
0xa4: {  	_ =	swait.ge [sflag:s11], $0xC80  }
0xa5: {  	[sflag:s11] =	ssyncset.done $0x0  }
0xa6: {  	[sflag:s11] =	ssyncadd.s32 $0xFFFFF380  }
0xa7: {  	_ =	swait.ge [sflag:s12], $0xC80  }
0xa8: {  	[sflag:s12] =	ssyncset.done $0x0  }
0xa9: {  	[sflag:s12] =	ssyncadd.s32 $0xFFFFF380  }
0xaa: {  	_ =	swait.ge [sflag:s13], $0xC80  }
0xab: {  	[sflag:s13] =	ssyncset.done $0x0  }
0xac: {  	[sflag:s13] =	ssyncadd.s32 $0xFFFFF380  }
0xad: {  	_ =	swait.ge [sflag:s14], $0xC80  }
0xae: {  	[sflag:s14] =	ssyncset.done $0x0  }
0xaf: {  	[sflag:s14] =	ssyncadd.s32 $0xFFFFF380  }
0xb0: {  	_ =	swait.ge [sflag:s15], $0xC80  }
0xb1: {  	s16 =	sadd.s32 $0x1, s16;
	s20 =	rddreg [dreg:$0x4]  }
0xb2: {  	p0 =	sne.s32 s16, s20  }
.Ltmp9:
0xb3: {  	_ = 	snop;
	(pc) =	sbr.rel @p0 .LBB2_1-.Ltmp9, $3  }
0xb4: {  	_ =	sdelay $0x1  }
0xb5: {  	[sflag:s15] =	ssyncset.done $0x0  }
0xb6: {  	[sflag:s15] =	ssyncadd.s32 $0xFFFFF380  }
0xb7: {  	_ =	sfence.sel $0x180000  }
0xb8: {  	[bflag:$0x0] =	sbarrier.arrive $0xFFFF  }
0xb9: {  	_ =	strace $0x90000047  }
0xba: {  	s0 =	stileid.u32;
	[bflag:$0x2] =	sbarrier.arrive $0xFFFF  }
0xbb: {  	p0 =	sne.s32 s0, $0x0;
	s0 =	rddreg [dreg:$0x2]  }
0xbc: {  	s0 =	sadd.s32 @!p0 $0x100000, s0  }
0xbd: {  	[sflag:s0] =	ssyncadd.tile.s32 @!p0 $0x1;
	_ =	shalt  }
.Lfunc_end2:
_tile_overlayer_lowered:
.L_overlay_start_2:
0xbe: {  	(tag) =	ssettag $0x2  }
0xbf: {  	s0 =	rddreg [dreg:$0x0];
	s2 =	stileid.u32  }
0xc0: {  	s1 =	rddreg [dreg:$0x1];
	p0 =	sne.s32 s2, $0x0  }
0xc1: {  	s3 =	rddreg [dreg:$0x2];
	[bflag:$0x3] =	sbarrier.arrive $0xFFFF;
	s2 =	simm.s32 @!p0 $0x1C11  }
0xc2: {  	[timem:s3], [sflag:s2] =	dma.local @!p0 [hbm:s0], s1  }
0xc3: {  	s0 =	simm.s32 @!p0 $0x11  }
0xc4: {  	_ =	swait.ge @!p0 [sflag:s0], s1  }
0xc5: {  	s1 =	ssub.s32 @!p0 $0x0, s1;
	[sflag:s0] =	ssyncset.done @!p0 $0x0  }
0xc6: {  	[sflag:s0] =	ssyncadd.s32 @!p0 s1  }
0xc7: {  	[bflag:$0x3] =	sbarrier.arrive $0xFFFF  }
0xc8: {  	_ =	shalt  }

// kernel: sparse-core-data-format-call.cloned.1.call-start
scs
called_computation_lowered:
.L_overlay_start_0:
0x0: {  	s2 =	sld [smem:$0x3FD9]  }
0x1: {  	s3 =	sld [smem:$0x3FFE];
	_ =	sdelay $0x1  }
0x2: {  	s1 =	srdreg.scid  }
0x3: {  	s0 =	sand.u32 $0x1, s1  }
0x4: {  	s18 =	sshll.u32 s0, $0xA;
	s2 =	sadd.s32 s3, s2  }
0x5: {  	s2 =	sadd.s32 s2, s18  }
0x6: {  	[smem:$0x3FC6] =	sst s2  }
0x7: {  	_ = 	snop  }
0x8: {  	s2 =	sld [smem:$0x3FD0];
	(tm) =	ssettm $0x1  }
0x9: {  	s19 =	sld [smem:$0x3FFB];
	_ =	sdelay $0x3  }
0xa: {  	_ =	strace s19  }
0xb: {  	s3 =	sld [smem:$0x3FFC];
	_ =	sdelay $0x3  }
0xc: {  	_ =	strace s3  }
0xd: {  	s3 =	sld [smem:$0x3FFD];
	_ =	sdelay $0x3  }
0xe: {  	_ =	strace s3  }
0xf: {  	_ =	strace $0x8FFFFFFF  }
0x10: {  	s20 =	sld [smem:$0x3FDB];
	_ =	sdelay $0x1  }
0x11: {  	s4 =	simm.s32 $_scs_section_size  }
0x12: {  	s5 =	simm.s32 $_size__tile_overlayer_lowered;
	s6 =	simm.s32 $_tile_overlayer_lowered  }
0x13: {  	s23 =	simm.s32 $0x1BFF;
	s22 =	sshll.u32 s6, $0x1;
	s3 =	sadd.s32 s4, s20  }
0x14: {  	s7 =	simm.s32 $0x0;
	s21 =	sshll.u32 s5, $0x1;
	s5 =	sadd.s32 s22, s3  }
0x15: {  	[timem:s7], [sflag:s23] =	dma.local [hbm:s5], s21  }
0x16: {  	_ =	swait.ge [sflag:s23], s21  }
0x17: {  	s4 =	ssub.s32 $0x0, s21;
	[sflag:s23] =	ssyncset.done $0x0  }
0x18: {  	[sflag:s23] =	ssyncadd.s32 s4;
	_ =	sdelay $0x1  }
0x19: {  	s24 =	simm.s32 $0x1B8B  }
0x1a: {  	_ =	swait.ge [sflag:s24], $0x1  }
0x1b: {  	[sflag:s24] =	ssyncset.done $0x0  }
0x1c: {  	s26 =	simm.s32 $0x1B8E;
	s25 =	sld [smem:$0x3FFE];
	[sflag:s24] =	ssyncadd.s32 $0xFFFFFFFF  }
0x1d: {  	s27 =	simm.s32 $execute0_lowered;
	[smem:$0x3FD2] =	sst s26  }
0x1e: {  	s5 =	sshll.u32 s27, $0x1;
	_ =	strace $0x80000049;
	[dreg:$0x1] =	wrdreg $0xFFFFFFFF  }
0x1f: {  	s28 =	simm.s32 $_size_execute0_lowered;
	s3 =	sadd.s32 s3, s5;
	[dreg:$0x0] =	wrdreg $0x0  }
0x20: {  	s5 =	sshll.u32 s28, $0x1;
	[dreg:$0x2] =	wrdreg s3  }
0x21: {  	[dreg:$0x3] =	wrdreg s5  }
0x22: {  	[dreg:$0x4] =	wrdreg $0xC0  }
0x23: {  	_ =	task [dreg:s7], $0x5FFFF  }
0x24: {  	[dreg:$0x1] =	wrdreg $0xFFFFFFFF  }
0x25: {  	[dreg:$0x0] =	wrdreg $0x60  }
0x26: {  	[dreg:$0x2] =	wrdreg s25  }
0x27: {  	[dreg:$0x3] =	wrdreg s2  }
0x28: {  	[dreg:$0x4] =	wrdreg $0x9  }
0x29: {  	_ =	task.clear_ibuf [dreg:s7], $0x5FFFF;
	_ =	strace $0x90000049  }
0x2a: {  	s29 =	simm.s32 $0x9;
	_ =	strace $0x8000004B  }
0x2b: {  	_ =	swait.ge [sflag:s29], $0x1  }
0x2c: {  	[sflag:s29] =	ssyncadd.s32 $0xFFFFFFFF  }
0x2d: {  	_ =	strace $0x9000004B  }
0x2e: {  	_ =	sfence  }
0x2f: {  	s30 =	sld [smem:$0x0];
	_ =	sdelay $0x2  }
0x30: {  	s31 =	sshll.u32 s1, $0xD;
	s1 =	sshrl.u32 s1, $0x2  }
0x31: {  	s3 =	sand.u32 $0x4000, s31;
	s1 =	sadd.s32 s1, s30  }
0x32: {  	s0 =	sor.u32 s3, s0;
	s1 =	sshll.u32 s1, $0x11  }
0x33: {  	s0 =	sor.u32 s1, s0  }
0x34: {  	s0 =	sadd.s32 $0x8F2B, s0  }
0x35: {  	[sflag:s0] =	ssyncadd.remote.s32 $0x1  }
0x36: {  	_ =	sfence.sel $0xFFFF  }
0x37: {  	[dreg:$0x0] =	wrdreg $0xFFFFFFFF;
	(pc) =	sbr.abs _section_cstart, $3  }
0x38: {  	[dreg:$0x1] =	wrdreg $0xFFFFFFFF  }
0x39: {  	_ =	task.clear_ibuf [dreg:s7], $0x2FFFF;
	_ =	strace $0x9FFFFFFF  }
0x3a: {  	(tm) =	ssettm $0x7FFFFFFF  }
0x3b: {  	_ =	shalt  }
tec
execute0_lowered:
.L_overlay_start_1:
0x0: {  	(tag) =	ssettag $0x1  }
0x1: {  	s0 =	srdreg.scid  }
0x2: {  	s1 =	sshll.u32 s0, $0x4  }
0x3: {  	s0 =	stileid.u32;
	s1 =	sand.u32 $0x10, s1  }
0x4: {  	s1 =	sor.u32 s0, s1  }
0x5: {  	s6 =	rddreg [dreg:$0x0];
	s4 =	simm.s32 $0x1;
	s2 =	sshll.u32 s1, $0x7  }
0x6: {  	s7 =	simm.s32 $0x2;
	s12 =	simm.s32 $0x0;
	s1 =	ssub.s32 $0x1000, s2  }
0x7: {  	s8 =	simm.s32 $0x8000;
	s13 =	simm.s32 $0x0;
	s3 =	sand.u32 $0xF80, s1  }
0x8: {  	s9 =	simm.s32 $0x0;
	s5 =	sshrl.u32 s1, $0xC;
	p0 =	sne.s32 s3, $0x0  }
.Ltmp0:
0x9: {  	s1 =	rddreg [dreg:$0x2];
	s4 =	simm.s32 @!p0 $0x0;
	(pc) =	sbr.rel .LBB1_1-.Ltmp0, $4  }
0xa: {  	s11 =	simm.s32 $0x0;
	s3 =	rddreg [dreg:$0x1];
	s5 =	sadd.s32 s4, s5  }
0xb: {  	_ =	strace $0x8000004A;
	s4 =	simm.s32 $0x1;
	s5 =	smul.u32 $0x32, s5  }
0xc: {  	s6 =	sadd.s32 $0xA00, s6;
	s10 =	smov.u32 s2;
	[sflag:s4] =	ssyncpa.u1 $0x0  }
0xd: {  	p0 =	por $0x0, $0x0;
	[sflag:s7] =	ssyncpa.u1 $0x0;
	s7 =	sor.u32 $0x1, s5  }
.LBB1_4:
0xe: {  	s16 =	sshll.u32 s13, $0x3;
	s17 =	sand.u32 $0x78, s13  }
0xf: {  	s30 =	sand.u32 $0x7E00, s13;
	s12 =	sshll.u32 s12, $0xF;
	s16 =	sand.u32 $0xC00, s16  }
0x10: {  	[tilespmem:s15+$0x810 ss:$0x81] =	vst.msk $0xffff, v2;
	s31 =	sand.u32 $0x7, s13;
	s16 =	sor.u32 s17, s16;
	s17 =	sadd.s32 s3, s30  }
0x11: {  	[tilespmem:s15+$0x1020 ss:$0x81] =	vst.msk $0xffff, v0;
	s13 =	sshll.u32 s31, $0x12;
	s12 =	sadd.s32 s12, s17;
	s16 =	sshrl.u32 s16, $0x3  }
0x12: {  	[tilespmem:s15+$0x0 ss:$0x81] =	vst.msk $0xffff, v1;
	s13 =	sor.u32 $0x400, s13;
	s12 =	sadd.s32 s16, s12  }
0x13: {  	[hbm4b:s12+s13] =	stream.strided.scatter [tilespmem:s14], [sflag:$0x2], $0x2000, s8, s13, $0x20;
	[tilespmem:$0x8080] =	vst v63  }
.LBB1_5:
0x14: {  	s14 =	sadd.s32 $0x1, s9  }
0x15: {  	s12 =	sadd.s32 $0x1000, s10;
	s16 =	smov.u32 s10;
	p2 =	sgt.s32 s14, $0x31  }
0x16: {  	s16 =	smov.u32 @p2 s12  }
0x17: {  	s14 =	simm.s32 @p2 $0x0;
	p2 =	sgt.s32 s16, $0xFFF  }
0x18: {  	s16 =	smov.u32 @p2 s2;
	p2 =	sne.s32 s11, s7  }
.Ltmp1:
0x19: {  	p1 =	slt.u32 s11, $0x2;
	(pc) =	sbr.rel @!p2 .LBB1_6-.Ltmp1, $4  }
0x1a: {  	s15 =	simm.s32 @!p1 $0x2  }
0x1b: {  	s13 =	smov.u32 s10;
	p0 =	por !p0, !p0;
	_ =	swait.ge @!p1 [sflag:s15], $0x2000  }
0x1c: {  	s12 =	smov.u32 s9;
	[sflag:s15] =	ssyncset.done @!p1 $0x0;
	s9 =	smov.u32 s14  }
0x1d: {  	s11 =	sadd.s32 $0x1, s11;
	[sflag:s15] =	ssyncadd.s32 @!p1 $0xFFFFE000;
	s10 =	smov.u32 s16  }
.LBB1_1:
0x1e: {  	p1 =	sge.u32 s11, s5  }
0x1f: {  	s14 =	sand.u32 @!p1 $0x1FFFFFF, s9  }
0x20: {  	s15 =	smulhi.u32 @!p1 $0x4924925, s14;
	_ =	sdelay $0x1  }
0x21: {  	s15 =	smul.u32 @!p1 $0x38, s15  }
0x22: {  	s16 =	sxor.u32 @!p1 $0xFFFFFFFF, s11;
	s17 =	smul.u32 @!p1 $0x380, s10  }
0x23: {  	s31 =	sadd.s32 $0xFFFFFFFF, s11;
	s16 =	sshll.u32 @!p1 s16, $0xD;
	s14 =	ssub.s32 @!p1 s14, s15  }
0x24: {  	s15 =	sand.u32 @!p1 $0x2000, s16;
	s16 =	sadd.s32 @!p1 s6, s17;
	s14 =	sshll.u32 @!p1 s14, $0x4  }
0x25: {  	s17 =	simm.s32 @!p1 $0x1C00;
	s14 =	sadd.s32 @!p1 s14, s16;
	s16 =	simm.s32 @!p1 $0x40  }
0x26: {  	[tilespmem:s15], [sflag:$0x1] =	stream.strided.gather @!p1 [hbm4b:s14+s16], $0x2000, s17, s16, $0x38;
	[tilespmem:$0x8080] =	vst v63  }
0x27: {  	p1 =	sge.u32 s31, s5  }
.Ltmp2:
0x28: {  	_ = 	snop;
	(pc) =	sbr.rel @p1 .LBB1_5-.Ltmp2, $1  }
0x29: {  	_ =	sdelay $0x3  }
0x2a: {  	s14 =	simm.s32 $0x1  }
0x2b: {  	_ =	swait.ge [sflag:s4], $0x2000;
	s14 =	simm.s32 @!p0 $0x0  }
0x2c: {  	[sflag:s4] =	ssyncset.done $0x0;
	s15 =	sshll.u32 s14, $0xD  }
0x2d: {  	[sflag:s4] =	ssyncadd.s32 $0xFFFFE000;
	s18 =	sor.u32 $0x20, s15  }
0x2e: {  	s14 =	smul.u32 $0x8100, s14;
	v3 =	vld [tilespmem:s18+$0x10]  }
0x2f: {  	s30 =	sand.u32 $0x1, s11;
	v2 =	vld [tilespmem:s18+$0xFFFFFFF0]  }
0x30: {  	s15 =	smul.u32 $0x8100, s30;
	s14 =	sshrl.u32 s14, $0x2;
	v0 =	vld [tilespmem:s18+$0x0]  }
0x31: {  	v1 =	vld [tilespmem:s18+$0xFFFFFFE0];
	s16 =	sor.u32 $0x4000, s14  }
0x32: {  	s31 =	sshrl.u32 s15, $0x2;
	s15 =	sadd.s32 $0x0, s16  }
0x33: {  	s17 =	simm.s32 $0x4;
	s18 =	sadd.s32 $0x40, s18;
	s14 =	sor.u32 $0x4000, s31;
	[tilespmem:s15+$0x1830 ss:$0x81] =	vst.msk $0xffff, v3  }
.LBB1_3:
0x34: {  	v3 =	vld [tilespmem:s18+$0x10];
	p1 =	sne.s32 s17, $0x1FC;
	[tilespmem:s15+$0x810 ss:$0x81] =	vst.msk $0xffff, v2;
	s19 =	smov.u32 s17;
	s17 =	sadd.s32 $0x4, s17  }
.Ltmp3:
0x35: {  	v2 =	vld [tilespmem:s18+$0xFFFFFFF0];
	[tilespmem:s15+$0x1020 ss:$0x81] =	vst.msk $0xffff, v0;
	(pc) =	sbr.rel @p1 .LBB1_3-.Ltmp3, $4  }
0x36: {  	v0 =	vld [tilespmem:s18+$0x0];
	[tilespmem:s15+$0x0 ss:$0x81] =	vst.msk $0xffff, v1  }
0x37: {  	s15 =	sshra.s32 s19, $0x2;
	v1 =	vld [tilespmem:s18+$0xFFFFFFE0]  }
0x38: {  	s15 =	sadd.s32 s15, s16  }
0x39: {  	s18 =	sadd.s32 $0x40, s18;
	[tilespmem:s15+$0x1830 ss:$0x81] =	vst.msk $0xffff, v3  }
.Ltmp4:
0x3a: {  	_ = 	snop;
	(pc) =	sbr.rel .LBB1_4-.Ltmp4, $1  }
0x3b: {  	_ =	sdelay $0x3  }
.LBB1_6:
0x3c: {  	_ =	sfence.sel $0x180000  }
0x3d: {  	s2 =	simm.s32 $0x1;
	[bflag:$0x0] =	sbarrier.arrive $0xFFFF  }
0x3e: {  	s31 =	simm.s32 $0x2;
	[sflag:s2] =	ssyncpa.u1 $0x1  }
0x3f: {  	[sflag:s31] =	ssyncpa.u1 $0x1  }
0x40: {  	p0 =	sne.s32 s0, $0x0;
	_ =	strace $0x9000004A  }
0x41: {  	s0 =	sadd.s32 @!p0 $0x100000, s1;
	[bflag:$0x2] =	sbarrier.arrive $0xFFFF  }
0x42: {  	[sflag:s0] =	ssyncadd.tile.s32 @!p0 $0x1;
	_ =	shalt  }
.Lfunc_end1:
_tile_overlayer_lowered:
.L_overlay_start_2:
0x43: {  	(tag) =	ssettag $0x2  }
0x44: {  	s0 =	rddreg [dreg:$0x0];
	s2 =	stileid.u32  }
0x45: {  	s1 =	rddreg [dreg:$0x1];
	p0 =	sne.s32 s2, $0x0  }
0x46: {  	s3 =	rddreg [dreg:$0x2];
	[bflag:$0x3] =	sbarrier.arrive $0xFFFF;
	s2 =	simm.s32 @!p0 $0x1C01  }
0x47: {  	[timem:s3], [sflag:s2] =	dma.local @!p0 [hbm:s0], s1  }
0x48: {  	s0 =	simm.s32 @!p0 $0x1  }
0x49: {  	_ =	swait.ge @!p0 [sflag:s0], s1  }
0x4a: {  	s1 =	ssub.s32 @!p0 $0x0, s1;
	[sflag:s0] =	ssyncset.done @!p0 $0x0  }
0x4b: {  	[sflag:s0] =	ssyncadd.s32 @!p0 s1  }
0x4c: {  	[bflag:$0x3] =	sbarrier.arrive $0xFFFF  }
0x4d: {  	_ =	shalt  }

</sc_bundles>
